<compile_context>
chip_gen: v7x
topology: tpu7x:2x2x1
jax: 0.10.2.dev20260603
libtpu: 0.0.44.dev20260713+nightly
codegen_flags: <defaults>
</compile_context>

<pallas_src>
import functools

import jax
import jax.numpy as jnp
from jax import lax
from jax.experimental import pallas as pl
from jax.experimental.pallas import tpu as pltpu
from jax.experimental.pallas import tpu_sc as plsc

B = 16384
K = 32
NC = 2
NS = 16
NW = NC * NS
BPW = B // NW
CHUNK = 128
NCHUNK = BPW // CHUNK
L = 16
GROUPS = BPW // L


def _sc_body(uidx_hbm, iidx_hbm, tab_hbm, out_hbm,
             uidx_v, iidx_v, urows_v, irows_v, out_v, sem):
    c = lax.axis_index("c")
    s = lax.axis_index("s")
    wid = s * NC + c
    base = wid * BPW

    pltpu.sync_copy(uidx_hbm.at[pl.ds(base, BPW)], uidx_v)
    pltpu.sync_copy(iidx_hbm.at[pl.ds(base, BPW)], iidx_v)

    copies = []
    for j in range(NCHUNK):
        cu = pltpu.make_async_copy(
            tab_hbm.at[uidx_v.at[pl.ds(j * CHUNK, CHUNK)]],
            urows_v.at[pl.ds(j * CHUNK, CHUNK)], sem)
        ci = pltpu.make_async_copy(
            tab_hbm.at[iidx_v.at[pl.ds(j * CHUNK, CHUNK)]],
            irows_v.at[pl.ds(j * CHUNK, CHUNK)], sem)
        cu.start()
        ci.start()
        copies.append(cu)
        copies.append(ci)
    for cp in copies:
        cp.wait()

    lanes = lax.iota(jnp.int32, 16)

    def group(g, carry):
        rows = g * L + lanes
        acc = jnp.zeros((L,), jnp.float32)
        for k in range(K):
            col = jnp.full((L,), k, jnp.int32)
            u = plsc.load_gather(urows_v, [rows, col])
            v = plsc.load_gather(irows_v, [rows, col])
            acc = acc + u * v
        out_v[pl.ds(g * L, L)] = acc
        return carry

    lax.fori_loop(0, GROUPS, group, 0)
    pltpu.sync_copy(out_v, out_hbm.at[pl.ds(base, BPW)])


_sc_call = functools.partial(
    pl.kernel,
    out_type=jax.ShapeDtypeStruct((B,), jnp.float32),
    mesh=plsc.VectorSubcoreMesh(core_axis_name="c", subcore_axis_name="s"),
    scratch_types=[
        pltpu.VMEM((BPW,), jnp.int32),
        pltpu.VMEM((BPW,), jnp.int32),
        pltpu.VMEM((BPW, K), jnp.float32),
        pltpu.VMEM((BPW, K), jnp.float32),
        pltpu.VMEM((BPW,), jnp.float32),
        pltpu.SemaphoreType.DMA,
    ],
    compiler_params=pltpu.CompilerParams(
        needs_layout_passes=False, use_tc_tiling_on_sc=False),
)(_sc_body)


def kernel(user_input, item_input, user_embedding, item_embedding):
    tab = jnp.concatenate([user_embedding, item_embedding], axis=0)
    out = _sc_call(user_input.reshape(B),
                   item_input.reshape(B) + user_embedding.shape[0], tab)
    return out.reshape(B, 1)

# --- scband reference (transcript-rebuilt; emitter-appended) ---
"""Pipeline reference for scband-cfmodel-13159779795598 (READ-ONLY COPY).

The authoritative reference and input builder live on the scoring server;
editing this copy changes nothing except your own understanding.
"""

import jax, jax.numpy as jnp
import numpy as np

N_USERS = 1000000
M_ITEMS = 1000000
K_FACTORS = 32
BATCH = 16384


def setup_inputs(seed: int = 0) -> dict:
    key = jax.random.key(seed)
    k1, k2, k3, k4 = jax.random.split(key, 4)
    user_input = jax.random.randint(k1, (BATCH, 1), 0, N_USERS, dtype=jnp.int32)
    item_input = jax.random.randint(k2, (BATCH, 1), 0, M_ITEMS, dtype=jnp.int32)
    # Learned parameters: embedding tables (keras Embedding default uniform init)
    user_embedding = jax.random.uniform(k3, (N_USERS, K_FACTORS), dtype=jnp.float32, minval=-0.05, maxval=0.05)
    item_embedding = jax.random.uniform(k4, (M_ITEMS, K_FACTORS), dtype=jnp.float32, minval=-0.05, maxval=0.05)
    return {
        "user_input": user_input,
        "item_input": item_input,
        "user_embedding": user_embedding,
        "item_embedding": item_embedding,
    }


def reference(user_input, item_input, user_embedding, item_embedding):
    # Embedding lookup: [B, 1] -> [B, 1, K], then Reshape((K,)) -> [B, K]
    P = jnp.take(user_embedding, user_input[:, 0], axis=0)  # [B, K]
    Q = jnp.take(item_embedding, item_input[:, 0], axis=0)  # [B, K]
    # Dot(axes=1): elementwise product summed over feature axis -> [B, 1]
    R = jnp.sum(P * Q, axis=1, keepdims=True)
    return R

if __name__ == "__main__":
    import jax
    _d = setup_inputs()
    print(jax.jit(kernel)(*tuple(_d.values())))

</pallas_src>

<mosaic_0001>
#map = affine_map<(d0, d1) -> (0)>
#map1 = affine_map<(d0, d1) -> (0, 0)>
module attributes {stable_mosaic.version = 14 : i64} {
  func.func @_sc_body(%arg0: i32, %arg1: i32, %arg2: memref<16384xi32, #tpu.memory_space<hbm>>, %arg3: memref<16384xi32, #tpu.memory_space<hbm>>, %arg4: memref<2000000x32xf32, #tpu.memory_space<hbm>>, %arg5: memref<16384xf32, #tpu.memory_space<hbm>>, %arg6: memref<512xi32, #tpu.memory_space<vmem>>, %arg7: memref<512xi32, #tpu.memory_space<vmem>>, %arg8: memref<512x32xf32, #tpu.memory_space<vmem>>, %arg9: memref<512x32xf32, #tpu.memory_space<vmem>>, %arg10: memref<512xf32, #tpu.memory_space<vmem>>, %arg11: memref<!tpu.dma_semaphore, #tpu.memory_space<semaphore_mem>>) attributes {dimension_semantics = [#tpu.dimension_semantics<core_parallel>, #tpu.dimension_semantics<subcore_parallel>], iteration_bounds = array<i64: 2, 16>, scalar_prefetch = 0 : i64, scratch_operands = 6 : i64, tpu.core_type = #tpu.core_type<sc_vector_subcore>, window_params = [{transform_indices = #map}, {transform_indices = #map}, {transform_indices = #map1}, {transform_indices = #map}]} {
    %mul3A = arith.constant 2 : i32
    %mul3A_0 = arith.muli %arg1, %mul3A : i32
    %add3A = arith.addi %mul3A_0, %arg0 : i32
    %mul3A_1 = arith.constant 512 : i32
    %mul3A_2 = arith.muli %add3A, %mul3A_1 : i32
    "tpu.region"() ({
      %run_scoped3A = tpu.sem_alloc : memref<!tpu.dma_semaphore, #tpu.memory_space<semaphore_mem>>
      %dma_start3A_134 = tpu.memref_slice %arg2[%mul3A_2] : memref<16384xi32, #tpu.memory_space<hbm>> -> memref<512xi32, #tpu.memory_space<hbm>>
      %dma_start3A_135 = tpu.memref_slice %arg2[%mul3A_2] : memref<16384xi32, #tpu.memory_space<hbm>> -> memref<512xi32, #tpu.memory_space<hbm>>
      tpu.enqueue_dma source(%dma_start3A_135 : memref<512xi32, #tpu.memory_space<hbm>>) target(%arg6 : memref<512xi32, #tpu.memory_space<vmem>>) target_semaphore(%run_scoped3A : memref<!tpu.dma_semaphore, #tpu.memory_space<semaphore_mem>>)
      %dma_wait3A_136 = tpu.memref_slice %arg2[%mul3A_2] : memref<16384xi32, #tpu.memory_space<hbm>> -> memref<512xi32, #tpu.memory_space<hbm>>
      %dma_wait3A_137 = tpu.memref_slice %arg2[%mul3A_2] : memref<16384xi32, #tpu.memory_space<hbm>> -> memref<512xi32, #tpu.memory_space<hbm>>
      tpu.wait_dma2 semaphore(%run_scoped3A : memref<!tpu.dma_semaphore, #tpu.memory_space<semaphore_mem>>) src(%dma_wait3A_137 : memref<512xi32, #tpu.memory_space<hbm>>) dst(%arg6 : memref<512xi32, #tpu.memory_space<vmem>>)
      tpu.yield
    }) : () -> ()
    "tpu.region"() ({
      %run_scoped3A = tpu.sem_alloc : memref<!tpu.dma_semaphore, #tpu.memory_space<semaphore_mem>>
      %dma_start3A_134 = tpu.memref_slice %arg3[%mul3A_2] : memref<16384xi32, #tpu.memory_space<hbm>> -> memref<512xi32, #tpu.memory_space<hbm>>
      %dma_start3A_135 = tpu.memref_slice %arg3[%mul3A_2] : memref<16384xi32, #tpu.memory_space<hbm>> -> memref<512xi32, #tpu.memory_space<hbm>>
      tpu.enqueue_dma source(%dma_start3A_135 : memref<512xi32, #tpu.memory_space<hbm>>) target(%arg7 : memref<512xi32, #tpu.memory_space<vmem>>) target_semaphore(%run_scoped3A : memref<!tpu.dma_semaphore, #tpu.memory_space<semaphore_mem>>)
      %dma_wait3A_136 = tpu.memref_slice %arg3[%mul3A_2] : memref<16384xi32, #tpu.memory_space<hbm>> -> memref<512xi32, #tpu.memory_space<hbm>>
      %dma_wait3A_137 = tpu.memref_slice %arg3[%mul3A_2] : memref<16384xi32, #tpu.memory_space<hbm>> -> memref<512xi32, #tpu.memory_space<hbm>>
      tpu.wait_dma2 semaphore(%run_scoped3A : memref<!tpu.dma_semaphore, #tpu.memory_space<semaphore_mem>>) src(%dma_wait3A_137 : memref<512xi32, #tpu.memory_space<hbm>>) dst(%arg7 : memref<512xi32, #tpu.memory_space<vmem>>)
      tpu.yield
    }) : () -> ()
    %dma_start3A = arith.constant 0 : i32
    %dma_start3A_3 = arith.constant 0 : i32
    %dma_start3A_4 = tpu.memref_slice %arg8[%dma_start3A, %dma_start3A_3] : memref<512x32xf32, #tpu.memory_space<vmem>> -> memref<128x32xf32, #tpu.memory_space<vmem>>
    %dma_start3A_5 = arith.constant 0 : i32
    %dma_start3A_6 = tpu.memref_slice %arg6[%dma_start3A_5] : memref<512xi32, #tpu.memory_space<vmem>> -> memref<128xi32, #tpu.memory_space<vmem>>
    %dma_start3A_7 = arith.constant 0 : i32
    %dma_start3A_8 = arith.constant 0 : i32
    %dma_start3A_9 = tpu.memref_slice %arg4[%dma_start3A_7, %dma_start3A_8] : memref<2000000x32xf32, #tpu.memory_space<hbm>> -> memref<2000000x32xf32, #tpu.memory_space<hbm>>
    tpu.enqueue_indirect_dma source(%dma_start3A_9 : memref<2000000x32xf32, #tpu.memory_space<hbm>>) target(%dma_start3A_4 : memref<128x32xf32, #tpu.memory_space<vmem>>) offsets(%dma_start3A_6 : memref<128xi32, #tpu.memory_space<vmem>>) semaphore(%arg11 : memref<!tpu.dma_semaphore, #tpu.memory_space<semaphore_mem>>)
    %dma_start3A_10 = arith.constant 0 : i32
    %dma_start3A_11 = arith.constant 0 : i32
    %dma_start3A_12 = tpu.memref_slice %arg9[%dma_start3A_10, %dma_start3A_11] : memref<512x32xf32, #tpu.memory_space<vmem>> -> memref<128x32xf32, #tpu.memory_space<vmem>>
    %dma_start3A_13 = arith.constant 0 : i32
    %dma_start3A_14 = tpu.memref_slice %arg7[%dma_start3A_13] : memref<512xi32, #tpu.memory_space<vmem>> -> memref<128xi32, #tpu.memory_space<vmem>>
    %dma_start3A_15 = arith.constant 0 : i32
    %dma_start3A_16 = arith.constant 0 : i32
    %dma_start3A_17 = tpu.memref_slice %arg4[%dma_start3A_15, %dma_start3A_16] : memref<2000000x32xf32, #tpu.memory_space<hbm>> -> memref<2000000x32xf32, #tpu.memory_space<hbm>>
    tpu.enqueue_indirect_dma source(%dma_start3A_17 : memref<2000000x32xf32, #tpu.memory_space<hbm>>) target(%dma_start3A_12 : memref<128x32xf32, #tpu.memory_space<vmem>>) offsets(%dma_start3A_14 : memref<128xi32, #tpu.memory_space<vmem>>) semaphore(%arg11 : memref<!tpu.dma_semaphore, #tpu.memory_space<semaphore_mem>>)
    %dma_start3A_18 = arith.constant 128 : i32
    %dma_start3A_19 = arith.constant 0 : i32
    %dma_start3A_20 = tpu.memref_slice %arg8[%dma_start3A_18, %dma_start3A_19] : memref<512x32xf32, #tpu.memory_space<vmem>> -> memref<128x32xf32, #tpu.memory_space<vmem>>
    %dma_start3A_21 = arith.constant 128 : i32
    %dma_start3A_22 = tpu.memref_slice %arg6[%dma_start3A_21] : memref<512xi32, #tpu.memory_space<vmem>> -> memref<128xi32, #tpu.memory_space<vmem>>
    %dma_start3A_23 = arith.constant 0 : i32
    %dma_start3A_24 = arith.constant 0 : i32
    %dma_start3A_25 = tpu.memref_slice %arg4[%dma_start3A_23, %dma_start3A_24] : memref<2000000x32xf32, #tpu.memory_space<hbm>> -> memref<2000000x32xf32, #tpu.memory_space<hbm>>
    tpu.enqueue_indirect_dma source(%dma_start3A_25 : memref<2000000x32xf32, #tpu.memory_space<hbm>>) target(%dma_start3A_20 : memref<128x32xf32, #tpu.memory_space<vmem>>) offsets(%dma_start3A_22 : memref<128xi32, #tpu.memory_space<vmem>>) semaphore(%arg11 : memref<!tpu.dma_semaphore, #tpu.memory_space<semaphore_mem>>)
    %dma_start3A_26 = arith.constant 128 : i32
    %dma_start3A_27 = arith.constant 0 : i32
    %dma_start3A_28 = tpu.memref_slice %arg9[%dma_start3A_26, %dma_start3A_27] : memref<512x32xf32, #tpu.memory_space<vmem>> -> memref<128x32xf32, #tpu.memory_space<vmem>>
    %dma_start3A_29 = arith.constant 128 : i32
    %dma_start3A_30 = tpu.memref_slice %arg7[%dma_start3A_29] : memref<512xi32, #tpu.memory_space<vmem>> -> memref<128xi32, #tpu.memory_space<vmem>>
    %dma_start3A_31 = arith.constant 0 : i32
    %dma_start3A_32 = arith.constant 0 : i32
    %dma_start3A_33 = tpu.memref_slice %arg4[%dma_start3A_31, %dma_start3A_32] : memref<2000000x32xf32, #tpu.memory_space<hbm>> -> memref<2000000x32xf32, #tpu.memory_space<hbm>>
    tpu.enqueue_indirect_dma source(%dma_start3A_33 : memref<2000000x32xf32, #tpu.memory_space<hbm>>) target(%dma_start3A_28 : memref<128x32xf32, #tpu.memory_space<vmem>>) offsets(%dma_start3A_30 : memref<128xi32, #tpu.memory_space<vmem>>) semaphore(%arg11 : memref<!tpu.dma_semaphore, #tpu.memory_space<semaphore_mem>>)
    %dma_start3A_34 = arith.constant 256 : i32
    %dma_start3A_35 = arith.constant 0 : i32
    %dma_start3A_36 = tpu.memref_slice %arg8[%dma_start3A_34, %dma_start3A_35] : memref<512x32xf32, #tpu.memory_space<vmem>> -> memref<128x32xf32, #tpu.memory_space<vmem>>
    %dma_start3A_37 = arith.constant 256 : i32
    %dma_start3A_38 = tpu.memref_slice %arg6[%dma_start3A_37] : memref<512xi32, #tpu.memory_space<vmem>> -> memref<128xi32, #tpu.memory_space<vmem>>
    %dma_start3A_39 = arith.constant 0 : i32
    %dma_start3A_40 = arith.constant 0 : i32
    %dma_start3A_41 = tpu.memref_slice %arg4[%dma_start3A_39, %dma_start3A_40] : memref<2000000x32xf32, #tpu.memory_space<hbm>> -> memref<2000000x32xf32, #tpu.memory_space<hbm>>
    tpu.enqueue_indirect_dma source(%dma_start3A_41 : memref<2000000x32xf32, #tpu.memory_space<hbm>>) target(%dma_start3A_36 : memref<128x32xf32, #tpu.memory_space<vmem>>) offsets(%dma_start3A_38 : memref<128xi32, #tpu.memory_space<vmem>>) semaphore(%arg11 : memref<!tpu.dma_semaphore, #tpu.memory_space<semaphore_mem>>)
    %dma_start3A_42 = arith.constant 256 : i32
    %dma_start3A_43 = arith.constant 0 : i32
    %dma_start3A_44 = tpu.memref_slice %arg9[%dma_start3A_42, %dma_start3A_43] : memref<512x32xf32, #tpu.memory_space<vmem>> -> memref<128x32xf32, #tpu.memory_space<vmem>>
    %dma_start3A_45 = arith.constant 256 : i32
    %dma_start3A_46 = tpu.memref_slice %arg7[%dma_start3A_45] : memref<512xi32, #tpu.memory_space<vmem>> -> memref<128xi32, #tpu.memory_space<vmem>>
    %dma_start3A_47 = arith.constant 0 : i32
    %dma_start3A_48 = arith.constant 0 : i32
    %dma_start3A_49 = tpu.memref_slice %arg4[%dma_start3A_47, %dma_start3A_48] : memref<2000000x32xf32, #tpu.memory_space<hbm>> -> memref<2000000x32xf32, #tpu.memory_space<hbm>>
    tpu.enqueue_indirect_dma source(%dma_start3A_49 : memref<2000000x32xf32, #tpu.memory_space<hbm>>) target(%dma_start3A_44 : memref<128x32xf32, #tpu.memory_space<vmem>>) offsets(%dma_start3A_46 : memref<128xi32, #tpu.memory_space<vmem>>) semaphore(%arg11 : memref<!tpu.dma_semaphore, #tpu.memory_space<semaphore_mem>>)
    %dma_start3A_50 = arith.constant 384 : i32
    %dma_start3A_51 = arith.constant 0 : i32
    %dma_start3A_52 = tpu.memref_slice %arg8[%dma_start3A_50, %dma_start3A_51] : memref<512x32xf32, #tpu.memory_space<vmem>> -> memref<128x32xf32, #tpu.memory_space<vmem>>
    %dma_start3A_53 = arith.constant 384 : i32
    %dma_start3A_54 = tpu.memref_slice %arg6[%dma_start3A_53] : memref<512xi32, #tpu.memory_space<vmem>> -> memref<128xi32, #tpu.memory_space<vmem>>
    %dma_start3A_55 = arith.constant 0 : i32
    %dma_start3A_56 = arith.constant 0 : i32
    %dma_start3A_57 = tpu.memref_slice %arg4[%dma_start3A_55, %dma_start3A_56] : memref<2000000x32xf32, #tpu.memory_space<hbm>> -> memref<2000000x32xf32, #tpu.memory_space<hbm>>
    tpu.enqueue_indirect_dma source(%dma_start3A_57 : memref<2000000x32xf32, #tpu.memory_space<hbm>>) target(%dma_start3A_52 : memref<128x32xf32, #tpu.memory_space<vmem>>) offsets(%dma_start3A_54 : memref<128xi32, #tpu.memory_space<vmem>>) semaphore(%arg11 : memref<!tpu.dma_semaphore, #tpu.memory_space<semaphore_mem>>)
    %dma_start3A_58 = arith.constant 384 : i32
    %dma_start3A_59 = arith.constant 0 : i32
    %dma_start3A_60 = tpu.memref_slice %arg9[%dma_start3A_58, %dma_start3A_59] : memref<512x32xf32, #tpu.memory_space<vmem>> -> memref<128x32xf32, #tpu.memory_space<vmem>>
    %dma_start3A_61 = arith.constant 384 : i32
    %dma_start3A_62 = tpu.memref_slice %arg7[%dma_start3A_61] : memref<512xi32, #tpu.memory_space<vmem>> -> memref<128xi32, #tpu.memory_space<vmem>>
    %dma_start3A_63 = arith.constant 0 : i32
    %dma_start3A_64 = arith.constant 0 : i32
    %dma_start3A_65 = tpu.memref_slice %arg4[%dma_start3A_63, %dma_start3A_64] : memref<2000000x32xf32, #tpu.memory_space<hbm>> -> memref<2000000x32xf32, #tpu.memory_space<hbm>>
    tpu.enqueue_indirect_dma source(%dma_start3A_65 : memref<2000000x32xf32, #tpu.memory_space<hbm>>) target(%dma_start3A_60 : memref<128x32xf32, #tpu.memory_space<vmem>>) offsets(%dma_start3A_62 : memref<128xi32, #tpu.memory_space<vmem>>) semaphore(%arg11 : memref<!tpu.dma_semaphore, #tpu.memory_space<semaphore_mem>>)
    %dma_wait3A = arith.constant 0 : i32
    %dma_wait3A_66 = arith.constant 0 : i32
    %dma_wait3A_67 = tpu.memref_slice %arg8[%dma_wait3A, %dma_wait3A_66] : memref<512x32xf32, #tpu.memory_space<vmem>> -> memref<128x32xf32, #tpu.memory_space<vmem>>
    %dma_wait3A_68 = arith.constant 0 : i32
    %dma_wait3A_69 = tpu.memref_slice %arg6[%dma_wait3A_68] : memref<512xi32, #tpu.memory_space<vmem>> -> memref<128xi32, #tpu.memory_space<vmem>>
    %dma_wait3A_70 = arith.constant 0 : i32
    %dma_wait3A_71 = arith.constant 0 : i32
    %dma_wait3A_72 = tpu.memref_slice %arg4[%dma_wait3A_70, %dma_wait3A_71] : memref<2000000x32xf32, #tpu.memory_space<hbm>> -> memref<2000000x32xf32, #tpu.memory_space<hbm>>
    tpu.wait_indirect_dma semaphore(%arg11 : memref<!tpu.dma_semaphore, #tpu.memory_space<semaphore_mem>>) src(%dma_wait3A_72 : memref<2000000x32xf32, #tpu.memory_space<hbm>>) dst(%dma_wait3A_67 : memref<128x32xf32, #tpu.memory_space<vmem>>)
    %dma_wait3A_73 = arith.constant 0 : i32
    %dma_wait3A_74 = arith.constant 0 : i32
    %dma_wait3A_75 = tpu.memref_slice %arg9[%dma_wait3A_73, %dma_wait3A_74] : memref<512x32xf32, #tpu.memory_space<vmem>> -> memref<128x32xf32, #tpu.memory_space<vmem>>
    %dma_wait3A_76 = arith.constant 0 : i32
    %dma_wait3A_77 = tpu.memref_slice %arg7[%dma_wait3A_76] : memref<512xi32, #tpu.memory_space<vmem>> -> memref<128xi32, #tpu.memory_space<vmem>>
    %dma_wait3A_78 = arith.constant 0 : i32
    %dma_wait3A_79 = arith.constant 0 : i32
    %dma_wait3A_80 = tpu.memref_slice %arg4[%dma_wait3A_78, %dma_wait3A_79] : memref<2000000x32xf32, #tpu.memory_space<hbm>> -> memref<2000000x32xf32, #tpu.memory_space<hbm>>
    tpu.wait_indirect_dma semaphore(%arg11 : memref<!tpu.dma_semaphore, #tpu.memory_space<semaphore_mem>>) src(%dma_wait3A_80 : memref<2000000x32xf32, #tpu.memory_space<hbm>>) dst(%dma_wait3A_75 : memref<128x32xf32, #tpu.memory_space<vmem>>)
    %dma_wait3A_81 = arith.constant 128 : i32
    %dma_wait3A_82 = arith.constant 0 : i32
    %dma_wait3A_83 = tpu.memref_slice %arg8[%dma_wait3A_81, %dma_wait3A_82] : memref<512x32xf32, #tpu.memory_space<vmem>> -> memref<128x32xf32, #tpu.memory_space<vmem>>
    %dma_wait3A_84 = arith.constant 128 : i32
    %dma_wait3A_85 = tpu.memref_slice %arg6[%dma_wait3A_84] : memref<512xi32, #tpu.memory_space<vmem>> -> memref<128xi32, #tpu.memory_space<vmem>>
    %dma_wait3A_86 = arith.constant 0 : i32
    %dma_wait3A_87 = arith.constant 0 : i32
    %dma_wait3A_88 = tpu.memref_slice %arg4[%dma_wait3A_86, %dma_wait3A_87] : memref<2000000x32xf32, #tpu.memory_space<hbm>> -> memref<2000000x32xf32, #tpu.memory_space<hbm>>
    tpu.wait_indirect_dma semaphore(%arg11 : memref<!tpu.dma_semaphore, #tpu.memory_space<semaphore_mem>>) src(%dma_wait3A_88 : memref<2000000x32xf32, #tpu.memory_space<hbm>>) dst(%dma_wait3A_83 : memref<128x32xf32, #tpu.memory_space<vmem>>)
    %dma_wait3A_89 = arith.constant 128 : i32
    %dma_wait3A_90 = arith.constant 0 : i32
    %dma_wait3A_91 = tpu.memref_slice %arg9[%dma_wait3A_89, %dma_wait3A_90] : memref<512x32xf32, #tpu.memory_space<vmem>> -> memref<128x32xf32, #tpu.memory_space<vmem>>
    %dma_wait3A_92 = arith.constant 128 : i32
    %dma_wait3A_93 = tpu.memref_slice %arg7[%dma_wait3A_92] : memref<512xi32, #tpu.memory_space<vmem>> -> memref<128xi32, #tpu.memory_space<vmem>>
    %dma_wait3A_94 = arith.constant 0 : i32
    %dma_wait3A_95 = arith.constant 0 : i32
    %dma_wait3A_96 = tpu.memref_slice %arg4[%dma_wait3A_94, %dma_wait3A_95] : memref<2000000x32xf32, #tpu.memory_space<hbm>> -> memref<2000000x32xf32, #tpu.memory_space<hbm>>
    tpu.wait_indirect_dma semaphore(%arg11 : memref<!tpu.dma_semaphore, #tpu.memory_space<semaphore_mem>>) src(%dma_wait3A_96 : memref<2000000x32xf32, #tpu.memory_space<hbm>>) dst(%dma_wait3A_91 : memref<128x32xf32, #tpu.memory_space<vmem>>)
    %dma_wait3A_97 = arith.constant 256 : i32
    %dma_wait3A_98 = arith.constant 0 : i32
    %dma_wait3A_99 = tpu.memref_slice %arg8[%dma_wait3A_97, %dma_wait3A_98] : memref<512x32xf32, #tpu.memory_space<vmem>> -> memref<128x32xf32, #tpu.memory_space<vmem>>
    %dma_wait3A_100 = arith.constant 256 : i32
    %dma_wait3A_101 = tpu.memref_slice %arg6[%dma_wait3A_100] : memref<512xi32, #tpu.memory_space<vmem>> -> memref<128xi32, #tpu.memory_space<vmem>>
    %dma_wait3A_102 = arith.constant 0 : i32
    %dma_wait3A_103 = arith.constant 0 : i32
    %dma_wait3A_104 = tpu.memref_slice %arg4[%dma_wait3A_102, %dma_wait3A_103] : memref<2000000x32xf32, #tpu.memory_space<hbm>> -> memref<2000000x32xf32, #tpu.memory_space<hbm>>
    tpu.wait_indirect_dma semaphore(%arg11 : memref<!tpu.dma_semaphore, #tpu.memory_space<semaphore_mem>>) src(%dma_wait3A_104 : memref<2000000x32xf32, #tpu.memory_space<hbm>>) dst(%dma_wait3A_99 : memref<128x32xf32, #tpu.memory_space<vmem>>)
    %dma_wait3A_105 = arith.constant 256 : i32
    %dma_wait3A_106 = arith.constant 0 : i32
    %dma_wait3A_107 = tpu.memref_slice %arg9[%dma_wait3A_105, %dma_wait3A_106] : memref<512x32xf32, #tpu.memory_space<vmem>> -> memref<128x32xf32, #tpu.memory_space<vmem>>
    %dma_wait3A_108 = arith.constant 256 : i32
    %dma_wait3A_109 = tpu.memref_slice %arg7[%dma_wait3A_108] : memref<512xi32, #tpu.memory_space<vmem>> -> memref<128xi32, #tpu.memory_space<vmem>>
    %dma_wait3A_110 = arith.constant 0 : i32
    %dma_wait3A_111 = arith.constant 0 : i32
    %dma_wait3A_112 = tpu.memref_slice %arg4[%dma_wait3A_110, %dma_wait3A_111] : memref<2000000x32xf32, #tpu.memory_space<hbm>> -> memref<2000000x32xf32, #tpu.memory_space<hbm>>
    tpu.wait_indirect_dma semaphore(%arg11 : memref<!tpu.dma_semaphore, #tpu.memory_space<semaphore_mem>>) src(%dma_wait3A_112 : memref<2000000x32xf32, #tpu.memory_space<hbm>>) dst(%dma_wait3A_107 : memref<128x32xf32, #tpu.memory_space<vmem>>)
    %dma_wait3A_113 = arith.constant 384 : i32
    %dma_wait3A_114 = arith.constant 0 : i32
    %dma_wait3A_115 = tpu.memref_slice %arg8[%dma_wait3A_113, %dma_wait3A_114] : memref<512x32xf32, #tpu.memory_space<vmem>> -> memref<128x32xf32, #tpu.memory_space<vmem>>
    %dma_wait3A_116 = arith.constant 384 : i32
    %dma_wait3A_117 = tpu.memref_slice %arg6[%dma_wait3A_116] : memref<512xi32, #tpu.memory_space<vmem>> -> memref<128xi32, #tpu.memory_space<vmem>>
    %dma_wait3A_118 = arith.constant 0 : i32
    %dma_wait3A_119 = arith.constant 0 : i32
    %dma_wait3A_120 = tpu.memref_slice %arg4[%dma_wait3A_118, %dma_wait3A_119] : memref<2000000x32xf32, #tpu.memory_space<hbm>> -> memref<2000000x32xf32, #tpu.memory_space<hbm>>
    tpu.wait_indirect_dma semaphore(%arg11 : memref<!tpu.dma_semaphore, #tpu.memory_space<semaphore_mem>>) src(%dma_wait3A_120 : memref<2000000x32xf32, #tpu.memory_space<hbm>>) dst(%dma_wait3A_115 : memref<128x32xf32, #tpu.memory_space<vmem>>)
    %dma_wait3A_121 = arith.constant 384 : i32
    %dma_wait3A_122 = arith.constant 0 : i32
    %dma_wait3A_123 = tpu.memref_slice %arg9[%dma_wait3A_121, %dma_wait3A_122] : memref<512x32xf32, #tpu.memory_space<vmem>> -> memref<128x32xf32, #tpu.memory_space<vmem>>
    %dma_wait3A_124 = arith.constant 384 : i32
    %dma_wait3A_125 = tpu.memref_slice %arg7[%dma_wait3A_124] : memref<512xi32, #tpu.memory_space<vmem>> -> memref<128xi32, #tpu.memory_space<vmem>>
    %dma_wait3A_126 = arith.constant 0 : i32
    %dma_wait3A_127 = arith.constant 0 : i32
    %dma_wait3A_128 = tpu.memref_slice %arg4[%dma_wait3A_126, %dma_wait3A_127] : memref<2000000x32xf32, #tpu.memory_space<hbm>> -> memref<2000000x32xf32, #tpu.memory_space<hbm>>
    tpu.wait_indirect_dma semaphore(%arg11 : memref<!tpu.dma_semaphore, #tpu.memory_space<semaphore_mem>>) src(%dma_wait3A_128 : memref<2000000x32xf32, #tpu.memory_space<hbm>>) dst(%dma_wait3A_123 : memref<128x32xf32, #tpu.memory_space<vmem>>)
    %iota3A = tpu.iota {dimensions = array<i32: 0>} : vector<16xi32>
    %scan3A = arith.constant 0 : i32
    %scan3A_129 = arith.constant 0 : i32
    %scan3A_130 = arith.constant 32 : i32
    %scan3A_131 = arith.addi %scan3A_129, %scan3A_130 : i32
    %scan3A_132 = arith.constant 1 : i32
    scf.for %scan3A_134 = %scan3A_129 to %scan3A_131 step %scan3A_132  : i32 {
      %mul3A_135 = arith.constant 16 : i32
      %mul3A_136 = arith.muli %scan3A_134, %mul3A_135 : i32
      %add3A_137 = vector.broadcast %mul3A_136 : i32 to vector<16xi32>
      %add3A_138 = arith.addi %add3A_137, %iota3A : vector<16xi32>
      %broadcast_in_dim3A = arith.constant 0.000000e+00 : f32
      %broadcast_in_dim3A_139 = vector.broadcast %broadcast_in_dim3A : f32 to vector<16xf32>
      %broadcast_in_dim3A_140 = arith.constant 0 : i32
      %broadcast_in_dim3A_141 = vector.broadcast %broadcast_in_dim3A_140 : i32 to vector<16xi32>
      %gather3A = tpu.vector_load_idx %arg8[%add3A_138, %broadcast_in_dim3A_141] : memref<512x32xf32, #tpu.memory_space<vmem>>[vector<16xi32>, vector<16xi32>], vector<16xf32>,
      %gather3A_142 = tpu.vector_load_idx %arg9[%add3A_138, %broadcast_in_dim3A_141] : memref<512x32xf32, #tpu.memory_space<vmem>>[vector<16xi32>, vector<16xi32>], vector<16xf32>,
      %mul3A_143 = arith.mulf %gather3A, %gather3A_142 : vector<16xf32>
      %add3A_144 = arith.addf %broadcast_in_dim3A_139, %mul3A_143 : vector<16xf32>
      %broadcast_in_dim3A_145 = arith.constant 1 : i32
      %broadcast_in_dim3A_146 = vector.broadcast %broadcast_in_dim3A_145 : i32 to vector<16xi32>
      %gather3A_147 = tpu.vector_load_idx %arg8[%add3A_138, %broadcast_in_dim3A_146] : memref<512x32xf32, #tpu.memory_space<vmem>>[vector<16xi32>, vector<16xi32>], vector<16xf32>,
      %gather3A_148 = tpu.vector_load_idx %arg9[%add3A_138, %broadcast_in_dim3A_146] : memref<512x32xf32, #tpu.memory_space<vmem>>[vector<16xi32>, vector<16xi32>], vector<16xf32>,
      %mul3A_149 = arith.mulf %gather3A_147, %gather3A_148 : vector<16xf32>
      %add3A_150 = arith.addf %add3A_144, %mul3A_149 : vector<16xf32>
      %broadcast_in_dim3A_151 = arith.constant 2 : i32
      %broadcast_in_dim3A_152 = vector.broadcast %broadcast_in_dim3A_151 : i32 to vector<16xi32>
      %gather3A_153 = tpu.vector_load_idx %arg8[%add3A_138, %broadcast_in_dim3A_152] : memref<512x32xf32, #tpu.memory_space<vmem>>[vector<16xi32>, vector<16xi32>], vector<16xf32>,
      %gather3A_154 = tpu.vector_load_idx %arg9[%add3A_138, %broadcast_in_dim3A_152] : memref<512x32xf32, #tpu.memory_space<vmem>>[vector<16xi32>, vector<16xi32>], vector<16xf32>,
      %mul3A_155 = arith.mulf %gather3A_153, %gather3A_154 : vector<16xf32>
      %add3A_156 = arith.addf %add3A_150, %mul3A_155 : vector<16xf32>
      %broadcast_in_dim3A_157 = arith.constant 3 : i32
      %broadcast_in_dim3A_158 = vector.broadcast %broadcast_in_dim3A_157 : i32 to vector<16xi32>
      %gather3A_159 = tpu.vector_load_idx %arg8[%add3A_138, %broadcast_in_dim3A_158] : memref<512x32xf32, #tpu.memory_space<vmem>>[vector<16xi32>, vector<16xi32>], vector<16xf32>,
      %gather3A_160 = tpu.vector_load_idx %arg9[%add3A_138, %broadcast_in_dim3A_158] : memref<512x32xf32, #tpu.memory_space<vmem>>[vector<16xi32>, vector<16xi32>], vector<16xf32>,
      %mul3A_161 = arith.mulf %gather3A_159, %gather3A_160 : vector<16xf32>
      %add3A_162 = arith.addf %add3A_156, %mul3A_161 : vector<16xf32>
      %broadcast_in_dim3A_163 = arith.constant 4 : i32
      %broadcast_in_dim3A_164 = vector.broadcast %broadcast_in_dim3A_163 : i32 to vector<16xi32>
      %gather3A_165 = tpu.vector_load_idx %arg8[%add3A_138, %broadcast_in_dim3A_164] : memref<512x32xf32, #tpu.memory_space<vmem>>[vector<16xi32>, vector<16xi32>], vector<16xf32>,
      %gather3A_166 = tpu.vector_load_idx %arg9[%add3A_138, %broadcast_in_dim3A_164] : memref<512x32xf32, #tpu.memory_space<vmem>>[vector<16xi32>, vector<16xi32>], vector<16xf32>,
      %mul3A_167 = arith.mulf %gather3A_165, %gather3A_166 : vector<16xf32>
      %add3A_168 = arith.addf %add3A_162, %mul3A_167 : vector<16xf32>
      %broadcast_in_dim3A_169 = arith.constant 5 : i32
      %broadcast_in_dim3A_170 = vector.broadcast %broadcast_in_dim3A_169 : i32 to vector<16xi32>
      %gather3A_171 = tpu.vector_load_idx %arg8[%add3A_138, %broadcast_in_dim3A_170] : memref<512x32xf32, #tpu.memory_space<vmem>>[vector<16xi32>, vector<16xi32>], vector<16xf32>,
      %gather3A_172 = tpu.vector_load_idx %arg9[%add3A_138, %broadcast_in_dim3A_170] : memref<512x32xf32, #tpu.memory_space<vmem>>[vector<16xi32>, vector<16xi32>], vector<16xf32>,
      %mul3A_173 = arith.mulf %gather3A_171, %gather3A_172 : vector<16xf32>
      %add3A_174 = arith.addf %add3A_168, %mul3A_173 : vector<16xf32>
      %broadcast_in_dim3A_175 = arith.constant 6 : i32
      %broadcast_in_dim3A_176 = vector.broadcast %broadcast_in_dim3A_175 : i32 to vector<16xi32>
      %gather3A_177 = tpu.vector_load_idx %arg8[%add3A_138, %broadcast_in_dim3A_176] : memref<512x32xf32, #tpu.memory_space<vmem>>[vector<16xi32>, vector<16xi32>], vector<16xf32>,
      %gather3A_178 = tpu.vector_load_idx %arg9[%add3A_138, %broadcast_in_dim3A_176] : memref<512x32xf32, #tpu.memory_space<vmem>>[vector<16xi32>, vector<16xi32>], vector<16xf32>,
      %mul3A_179 = arith.mulf %gather3A_177, %gather3A_178 : vector<16xf32>
      %add3A_180 = arith.addf %add3A_174, %mul3A_179 : vector<16xf32>
      %broadcast_in_dim3A_181 = arith.constant 7 : i32
      %broadcast_in_dim3A_182 = vector.broadcast %broadcast_in_dim3A_181 : i32 to vector<16xi32>
      %gather3A_183 = tpu.vector_load_idx %arg8[%add3A_138, %broadcast_in_dim3A_182] : memref<512x32xf32, #tpu.memory_space<vmem>>[vector<16xi32>, vector<16xi32>], vector<16xf32>,
      %gather3A_184 = tpu.vector_load_idx %arg9[%add3A_138, %broadcast_in_dim3A_182] : memref<512x32xf32, #tpu.memory_space<vmem>>[vector<16xi32>, vector<16xi32>], vector<16xf32>,
      %mul3A_185 = arith.mulf %gather3A_183, %gather3A_184 : vector<16xf32>
      %add3A_186 = arith.addf %add3A_180, %mul3A_185 : vector<16xf32>
      %broadcast_in_dim3A_187 = arith.constant 8 : i32
      %broadcast_in_dim3A_188 = vector.broadcast %broadcast_in_dim3A_187 : i32 to vector<16xi32>
      %gather3A_189 = tpu.vector_load_idx %arg8[%add3A_138, %broadcast_in_dim3A_188] : memref<512x32xf32, #tpu.memory_space<vmem>>[vector<16xi32>, vector<16xi32>], vector<16xf32>,
      %gather3A_190 = tpu.vector_load_idx %arg9[%add3A_138, %broadcast_in_dim3A_188] : memref<512x32xf32, #tpu.memory_space<vmem>>[vector<16xi32>, vector<16xi32>], vector<16xf32>,
      %mul3A_191 = arith.mulf %gather3A_189, %gather3A_190 : vector<16xf32>
      %add3A_192 = arith.addf %add3A_186, %mul3A_191 : vector<16xf32>
      %broadcast_in_dim3A_193 = arith.constant 9 : i32
      %broadcast_in_dim3A_194 = vector.broadcast %broadcast_in_dim3A_193 : i32 to vector<16xi32>
      %gather3A_195 = tpu.vector_load_idx %arg8[%add3A_138, %broadcast_in_dim3A_194] : memref<512x32xf32, #tpu.memory_space<vmem>>[vector<16xi32>, vector<16xi32>], vector<16xf32>,
      %gather3A_196 = tpu.vector_load_idx %arg9[%add3A_138, %broadcast_in_dim3A_194] : memref<512x32xf32, #tpu.memory_space<vmem>>[vector<16xi32>, vector<16xi32>], vector<16xf32>,
      %mul3A_197 = arith.mulf %gather3A_195, %gather3A_196 : vector<16xf32>
      %add3A_198 = arith.addf %add3A_192, %mul3A_197 : vector<16xf32>
      %broadcast_in_dim3A_199 = arith.constant 10 : i32
      %broadcast_in_dim3A_200 = vector.broadcast %broadcast_in_dim3A_199 : i32 to vector<16xi32>
      %gather3A_201 = tpu.vector_load_idx %arg8[%add3A_138, %broadcast_in_dim3A_200] : memref<512x32xf32, #tpu.memory_space<vmem>>[vector<16xi32>, vector<16xi32>], vector<16xf32>,
      %gather3A_202 = tpu.vector_load_idx %arg9[%add3A_138, %broadcast_in_dim3A_200] : memref<512x32xf32, #tpu.memory_space<vmem>>[vector<16xi32>, vector<16xi32>], vector<16xf32>,
      %mul3A_203 = arith.mulf %gather3A_201, %gather3A_202 : vector<16xf32>
      %add3A_204 = arith.addf %add3A_198, %mul3A_203 : vector<16xf32>
      %broadcast_in_dim3A_205 = arith.constant 11 : i32
      %broadcast_in_dim3A_206 = vector.broadcast %broadcast_in_dim3A_205 : i32 to vector<16xi32>
      %gather3A_207 = tpu.vector_load_idx %arg8[%add3A_138, %broadcast_in_dim3A_206] : memref<512x32xf32, #tpu.memory_space<vmem>>[vector<16xi32>, vector<16xi32>], vector<16xf32>,
      %gather3A_208 = tpu.vector_load_idx %arg9[%add3A_138, %broadcast_in_dim3A_206] : memref<512x32xf32, #tpu.memory_space<vmem>>[vector<16xi32>, vector<16xi32>], vector<16xf32>,
      %mul3A_209 = arith.mulf %gather3A_207, %gather3A_208 : vector<16xf32>
      %add3A_210 = arith.addf %add3A_204, %mul3A_209 : vector<16xf32>
      %broadcast_in_dim3A_211 = arith.constant 12 : i32
      %broadcast_in_dim3A_212 = vector.broadcast %broadcast_in_dim3A_211 : i32 to vector<16xi32>
      %gather3A_213 = tpu.vector_load_idx %arg8[%add3A_138, %broadcast_in_dim3A_212] : memref<512x32xf32, #tpu.memory_space<vmem>>[vector<16xi32>, vector<16xi32>], vector<16xf32>,
      %gather3A_214 = tpu.vector_load_idx %arg9[%add3A_138, %broadcast_in_dim3A_212] : memref<512x32xf32, #tpu.memory_space<vmem>>[vector<16xi32>, vector<16xi32>], vector<16xf32>,
      %mul3A_215 = arith.mulf %gather3A_213, %gather3A_214 : vector<16xf32>
      %add3A_216 = arith.addf %add3A_210, %mul3A_215 : vector<16xf32>
      %broadcast_in_dim3A_217 = arith.constant 13 : i32
      %broadcast_in_dim3A_218 = vector.broadcast %broadcast_in_dim3A_217 : i32 to vector<16xi32>
      %gather3A_219 = tpu.vector_load_idx %arg8[%add3A_138, %broadcast_in_dim3A_218] : memref<512x32xf32, #tpu.memory_space<vmem>>[vector<16xi32>, vector<16xi32>], vector<16xf32>,
      %gather3A_220 = tpu.vector_load_idx %arg9[%add3A_138, %broadcast_in_dim3A_218] : memref<512x32xf32, #tpu.memory_space<vmem>>[vector<16xi32>, vector<16xi32>], vector<16xf32>,
      %mul3A_221 = arith.mulf %gather3A_219, %gather3A_220 : vector<16xf32>
      %add3A_222 = arith.addf %add3A_216, %mul3A_221 : vector<16xf32>
      %broadcast_in_dim3A_223 = arith.constant 14 : i32
      %broadcast_in_dim3A_224 = vector.broadcast %broadcast_in_dim3A_223 : i32 to vector<16xi32>
      %gather3A_225 = tpu.vector_load_idx %arg8[%add3A_138, %broadcast_in_dim3A_224] : memref<512x32xf32, #tpu.memory_space<vmem>>[vector<16xi32>, vector<16xi32>], vector<16xf32>,
      %gather3A_226 = tpu.vector_load_idx %arg9[%add3A_138, %broadcast_in_dim3A_224] : memref<512x32xf32, #tpu.memory_space<vmem>>[vector<16xi32>, vector<16xi32>], vector<16xf32>,
      %mul3A_227 = arith.mulf %gather3A_225, %gather3A_226 : vector<16xf32>
      %add3A_228 = arith.addf %add3A_222, %mul3A_227 : vector<16xf32>
      %broadcast_in_dim3A_229 = arith.constant 15 : i32
      %broadcast_in_dim3A_230 = vector.broadcast %broadcast_in_dim3A_229 : i32 to vector<16xi32>
      %gather3A_231 = tpu.vector_load_idx %arg8[%add3A_138, %broadcast_in_dim3A_230] : memref<512x32xf32, #tpu.memory_space<vmem>>[vector<16xi32>, vector<16xi32>], vector<16xf32>,
      %gather3A_232 = tpu.vector_load_idx %arg9[%add3A_138, %broadcast_in_dim3A_230] : memref<512x32xf32, #tpu.memory_space<vmem>>[vector<16xi32>, vector<16xi32>], vector<16xf32>,
      %mul3A_233 = arith.mulf %gather3A_231, %gather3A_232 : vector<16xf32>
      %add3A_234 = arith.addf %add3A_228, %mul3A_233 : vector<16xf32>
      %broadcast_in_dim3A_235 = arith.constant 16 : i32
      %broadcast_in_dim3A_236 = vector.broadcast %broadcast_in_dim3A_235 : i32 to vector<16xi32>
      %gather3A_237 = tpu.vector_load_idx %arg8[%add3A_138, %broadcast_in_dim3A_236] : memref<512x32xf32, #tpu.memory_space<vmem>>[vector<16xi32>, vector<16xi32>], vector<16xf32>,
      %gather3A_238 = tpu.vector_load_idx %arg9[%add3A_138, %broadcast_in_dim3A_236] : memref<512x32xf32, #tpu.memory_space<vmem>>[vector<16xi32>, vector<16xi32>], vector<16xf32>,
      %mul3A_239 = arith.mulf %gather3A_237, %gather3A_238 : vector<16xf32>
      %add3A_240 = arith.addf %add3A_234, %mul3A_239 : vector<16xf32>
      %broadcast_in_dim3A_241 = arith.constant 17 : i32
      %broadcast_in_dim3A_242 = vector.broadcast %broadcast_in_dim3A_241 : i32 to vector<16xi32>
      %gather3A_243 = tpu.vector_load_idx %arg8[%add3A_138, %broadcast_in_dim3A_242] : memref<512x32xf32, #tpu.memory_space<vmem>>[vector<16xi32>, vector<16xi32>], vector<16xf32>,
      %gather3A_244 = tpu.vector_load_idx %arg9[%add3A_138, %broadcast_in_dim3A_242] : memref<512x32xf32, #tpu.memory_space<vmem>>[vector<16xi32>, vector<16xi32>], vector<16xf32>,
      %mul3A_245 = arith.mulf %gather3A_243, %gather3A_244 : vector<16xf32>
      %add3A_246 = arith.addf %add3A_240, %mul3A_245 : vector<16xf32>
      %broadcast_in_dim3A_247 = arith.constant 18 : i32
      %broadcast_in_dim3A_248 = vector.broadcast %broadcast_in_dim3A_247 : i32 to vector<16xi32>
      %gather3A_249 = tpu.vector_load_idx %arg8[%add3A_138, %broadcast_in_dim3A_248] : memref<512x32xf32, #tpu.memory_space<vmem>>[vector<16xi32>, vector<16xi32>], vector<16xf32>,
      %gather3A_250 = tpu.vector_load_idx %arg9[%add3A_138, %broadcast_in_dim3A_248] : memref<512x32xf32, #tpu.memory_space<vmem>>[vector<16xi32>, vector<16xi32>], vector<16xf32>,
      %mul3A_251 = arith.mulf %gather3A_249, %gather3A_250 : vector<16xf32>
      %add3A_252 = arith.addf %add3A_246, %mul3A_251 : vector<16xf32>
      %broadcast_in_dim3A_253 = arith.constant 19 : i32
      %broadcast_in_dim3A_254 = vector.broadcast %broadcast_in_dim3A_253 : i32 to vector<16xi32>
      %gather3A_255 = tpu.vector_load_idx %arg8[%add3A_138, %broadcast_in_dim3A_254] : memref<512x32xf32, #tpu.memory_space<vmem>>[vector<16xi32>, vector<16xi32>], vector<16xf32>,
      %gather3A_256 = tpu.vector_load_idx %arg9[%add3A_138, %broadcast_in_dim3A_254] : memref<512x32xf32, #tpu.memory_space<vmem>>[vector<16xi32>, vector<16xi32>], vector<16xf32>,
      %mul3A_257 = arith.mulf %gather3A_255, %gather3A_256 : vector<16xf32>
      %add3A_258 = arith.addf %add3A_252, %mul3A_257 : vector<16xf32>
      %broadcast_in_dim3A_259 = arith.constant 20 : i32
      %broadcast_in_dim3A_260 = vector.broadcast %broadcast_in_dim3A_259 : i32 to vector<16xi32>
      %gather3A_261 = tpu.vector_load_idx %arg8[%add3A_138, %broadcast_in_dim3A_260] : memref<512x32xf32, #tpu.memory_space<vmem>>[vector<16xi32>, vector<16xi32>], vector<16xf32>,
      %gather3A_262 = tpu.vector_load_idx %arg9[%add3A_138, %broadcast_in_dim3A_260] : memref<512x32xf32, #tpu.memory_space<vmem>>[vector<16xi32>, vector<16xi32>], vector<16xf32>,
      %mul3A_263 = arith.mulf %gather3A_261, %gather3A_262 : vector<16xf32>
      %add3A_264 = arith.addf %add3A_258, %mul3A_263 : vector<16xf32>
      %broadcast_in_dim3A_265 = arith.constant 21 : i32
      %broadcast_in_dim3A_266 = vector.broadcast %broadcast_in_dim3A_265 : i32 to vector<16xi32>
      %gather3A_267 = tpu.vector_load_idx %arg8[%add3A_138, %broadcast_in_dim3A_266] : memref<512x32xf32, #tpu.memory_space<vmem>>[vector<16xi32>, vector<16xi32>], vector<16xf32>,
      %gather3A_268 = tpu.vector_load_idx %arg9[%add3A_138, %broadcast_in_dim3A_266] : memref<512x32xf32, #tpu.memory_space<vmem>>[vector<16xi32>, vector<16xi32>], vector<16xf32>,
      %mul3A_269 = arith.mulf %gather3A_267, %gather3A_268 : vector<16xf32>
      %add3A_270 = arith.addf %add3A_264, %mul3A_269 : vector<16xf32>
      %broadcast_in_dim3A_271 = arith.constant 22 : i32
      %broadcast_in_dim3A_272 = vector.broadcast %broadcast_in_dim3A_271 : i32 to vector<16xi32>
      %gather3A_273 = tpu.vector_load_idx %arg8[%add3A_138, %broadcast_in_dim3A_272] : memref<512x32xf32, #tpu.memory_space<vmem>>[vector<16xi32>, vector<16xi32>], vector<16xf32>,
      %gather3A_274 = tpu.vector_load_idx %arg9[%add3A_138, %broadcast_in_dim3A_272] : memref<512x32xf32, #tpu.memory_space<vmem>>[vector<16xi32>, vector<16xi32>], vector<16xf32>,
      %mul3A_275 = arith.mulf %gather3A_273, %gather3A_274 : vector<16xf32>
      %add3A_276 = arith.addf %add3A_270, %mul3A_275 : vector<16xf32>
      %broadcast_in_dim3A_277 = arith.constant 23 : i32
      %broadcast_in_dim3A_278 = vector.broadcast %broadcast_in_dim3A_277 : i32 to vector<16xi32>
      %gather3A_279 = tpu.vector_load_idx %arg8[%add3A_138, %broadcast_in_dim3A_278] : memref<512x32xf32, #tpu.memory_space<vmem>>[vector<16xi32>, vector<16xi32>], vector<16xf32>,
      %gather3A_280 = tpu.vector_load_idx %arg9[%add3A_138, %broadcast_in_dim3A_278] : memref<512x32xf32, #tpu.memory_space<vmem>>[vector<16xi32>, vector<16xi32>], vector<16xf32>,
      %mul3A_281 = arith.mulf %gather3A_279, %gather3A_280 : vector<16xf32>
      %add3A_282 = arith.addf %add3A_276, %mul3A_281 : vector<16xf32>
      %broadcast_in_dim3A_283 = arith.constant 24 : i32
      %broadcast_in_dim3A_284 = vector.broadcast %broadcast_in_dim3A_283 : i32 to vector<16xi32>
      %gather3A_285 = tpu.vector_load_idx %arg8[%add3A_138, %broadcast_in_dim3A_284] : memref<512x32xf32, #tpu.memory_space<vmem>>[vector<16xi32>, vector<16xi32>], vector<16xf32>,
      %gather3A_286 = tpu.vector_load_idx %arg9[%add3A_138, %broadcast_in_dim3A_284] : memref<512x32xf32, #tpu.memory_space<vmem>>[vector<16xi32>, vector<16xi32>], vector<16xf32>,
      %mul3A_287 = arith.mulf %gather3A_285, %gather3A_286 : vector<16xf32>
      %add3A_288 = arith.addf %add3A_282, %mul3A_287 : vector<16xf32>
      %broadcast_in_dim3A_289 = arith.constant 25 : i32
      %broadcast_in_dim3A_290 = vector.broadcast %broadcast_in_dim3A_289 : i32 to vector<16xi32>
      %gather3A_291 = tpu.vector_load_idx %arg8[%add3A_138, %broadcast_in_dim3A_290] : memref<512x32xf32, #tpu.memory_space<vmem>>[vector<16xi32>, vector<16xi32>], vector<16xf32>,
      %gather3A_292 = tpu.vector_load_idx %arg9[%add3A_138, %broadcast_in_dim3A_290] : memref<512x32xf32, #tpu.memory_space<vmem>>[vector<16xi32>, vector<16xi32>], vector<16xf32>,
      %mul3A_293 = arith.mulf %gather3A_291, %gather3A_292 : vector<16xf32>
      %add3A_294 = arith.addf %add3A_288, %mul3A_293 : vector<16xf32>
      %broadcast_in_dim3A_295 = arith.constant 26 : i32
      %broadcast_in_dim3A_296 = vector.broadcast %broadcast_in_dim3A_295 : i32 to vector<16xi32>
      %gather3A_297 = tpu.vector_load_idx %arg8[%add3A_138, %broadcast_in_dim3A_296] : memref<512x32xf32, #tpu.memory_space<vmem>>[vector<16xi32>, vector<16xi32>], vector<16xf32>,
      %gather3A_298 = tpu.vector_load_idx %arg9[%add3A_138, %broadcast_in_dim3A_296] : memref<512x32xf32, #tpu.memory_space<vmem>>[vector<16xi32>, vector<16xi32>], vector<16xf32>,
      %mul3A_299 = arith.mulf %gather3A_297, %gather3A_298 : vector<16xf32>
      %add3A_300 = arith.addf %add3A_294, %mul3A_299 : vector<16xf32>
      %broadcast_in_dim3A_301 = arith.constant 27 : i32
      %broadcast_in_dim3A_302 = vector.broadcast %broadcast_in_dim3A_301 : i32 to vector<16xi32>
      %gather3A_303 = tpu.vector_load_idx %arg8[%add3A_138, %broadcast_in_dim3A_302] : memref<512x32xf32, #tpu.memory_space<vmem>>[vector<16xi32>, vector<16xi32>], vector<16xf32>,
      %gather3A_304 = tpu.vector_load_idx %arg9[%add3A_138, %broadcast_in_dim3A_302] : memref<512x32xf32, #tpu.memory_space<vmem>>[vector<16xi32>, vector<16xi32>], vector<16xf32>,
      %mul3A_305 = arith.mulf %gather3A_303, %gather3A_304 : vector<16xf32>
      %add3A_306 = arith.addf %add3A_300, %mul3A_305 : vector<16xf32>
      %broadcast_in_dim3A_307 = arith.constant 28 : i32
      %broadcast_in_dim3A_308 = vector.broadcast %broadcast_in_dim3A_307 : i32 to vector<16xi32>
      %gather3A_309 = tpu.vector_load_idx %arg8[%add3A_138, %broadcast_in_dim3A_308] : memref<512x32xf32, #tpu.memory_space<vmem>>[vector<16xi32>, vector<16xi32>], vector<16xf32>,
      %gather3A_310 = tpu.vector_load_idx %arg9[%add3A_138, %broadcast_in_dim3A_308] : memref<512x32xf32, #tpu.memory_space<vmem>>[vector<16xi32>, vector<16xi32>], vector<16xf32>,
      %mul3A_311 = arith.mulf %gather3A_309, %gather3A_310 : vector<16xf32>
      %add3A_312 = arith.addf %add3A_306, %mul3A_311 : vector<16xf32>
      %broadcast_in_dim3A_313 = arith.constant 29 : i32
      %broadcast_in_dim3A_314 = vector.broadcast %broadcast_in_dim3A_313 : i32 to vector<16xi32>
      %gather3A_315 = tpu.vector_load_idx %arg8[%add3A_138, %broadcast_in_dim3A_314] : memref<512x32xf32, #tpu.memory_space<vmem>>[vector<16xi32>, vector<16xi32>], vector<16xf32>,
      %gather3A_316 = tpu.vector_load_idx %arg9[%add3A_138, %broadcast_in_dim3A_314] : memref<512x32xf32, #tpu.memory_space<vmem>>[vector<16xi32>, vector<16xi32>], vector<16xf32>,
      %mul3A_317 = arith.mulf %gather3A_315, %gather3A_316 : vector<16xf32>
      %add3A_318 = arith.addf %add3A_312, %mul3A_317 : vector<16xf32>
      %broadcast_in_dim3A_319 = arith.constant 30 : i32
      %broadcast_in_dim3A_320 = vector.broadcast %broadcast_in_dim3A_319 : i32 to vector<16xi32>
      %gather3A_321 = tpu.vector_load_idx %arg8[%add3A_138, %broadcast_in_dim3A_320] : memref<512x32xf32, #tpu.memory_space<vmem>>[vector<16xi32>, vector<16xi32>], vector<16xf32>,
      %gather3A_322 = tpu.vector_load_idx %arg9[%add3A_138, %broadcast_in_dim3A_320] : memref<512x32xf32, #tpu.memory_space<vmem>>[vector<16xi32>, vector<16xi32>], vector<16xf32>,
      %mul3A_323 = arith.mulf %gather3A_321, %gather3A_322 : vector<16xf32>
      %add3A_324 = arith.addf %add3A_318, %mul3A_323 : vector<16xf32>
      %broadcast_in_dim3A_325 = arith.constant 31 : i32
      %broadcast_in_dim3A_326 = vector.broadcast %broadcast_in_dim3A_325 : i32 to vector<16xi32>
      %gather3A_327 = tpu.vector_load_idx %arg8[%add3A_138, %broadcast_in_dim3A_326] : memref<512x32xf32, #tpu.memory_space<vmem>>[vector<16xi32>, vector<16xi32>], vector<16xf32>,
      %gather3A_328 = tpu.vector_load_idx %arg9[%add3A_138, %broadcast_in_dim3A_326] : memref<512x32xf32, #tpu.memory_space<vmem>>[vector<16xi32>, vector<16xi32>], vector<16xf32>,
      %mul3A_329 = arith.mulf %gather3A_327, %gather3A_328 : vector<16xf32>
      %add3A_330 = arith.addf %add3A_324, %mul3A_329 : vector<16xf32>
      %mul3A_331 = arith.constant 16 : i32
      %mul3A_332 = arith.muli %scan3A_134, %mul3A_331 : i32
      %swap3A = arith.index_cast %mul3A_332 : i32 to index
      %swap3A_333 = tpu.vector_load %arg10[%swap3A] {strides = array<i32>} : memref<512xf32, #tpu.memory_space<vmem>>, vector<16xf32>,
      tpu.vector_store %arg10[%swap3A], %add3A_330 {strides = array<i32>} : memref<512xf32, #tpu.memory_space<vmem>>, vector<16xf32>,
    }
    %scan3A_133 = arith.constant 32 : i32
    "tpu.region"() ({
      %run_scoped3A = tpu.sem_alloc : memref<!tpu.dma_semaphore, #tpu.memory_space<semaphore_mem>>
      %dma_start3A_134 = tpu.memref_slice %arg5[%mul3A_2] : memref<16384xf32, #tpu.memory_space<hbm>> -> memref<512xf32, #tpu.memory_space<hbm>>
      %dma_start3A_135 = tpu.memref_slice %arg5[%mul3A_2] : memref<16384xf32, #tpu.memory_space<hbm>> -> memref<512xf32, #tpu.memory_space<hbm>>
      tpu.enqueue_dma source(%arg10 : memref<512xf32, #tpu.memory_space<vmem>>) target(%dma_start3A_135 : memref<512xf32, #tpu.memory_space<hbm>>) target_semaphore(%run_scoped3A : memref<!tpu.dma_semaphore, #tpu.memory_space<semaphore_mem>>)
      %dma_wait3A_136 = tpu.memref_slice %arg5[%mul3A_2] : memref<16384xf32, #tpu.memory_space<hbm>> -> memref<512xf32, #tpu.memory_space<hbm>>
      %dma_wait3A_137 = tpu.memref_slice %arg5[%mul3A_2] : memref<16384xf32, #tpu.memory_space<hbm>> -> memref<512xf32, #tpu.memory_space<hbm>>
      tpu.wait_dma2 semaphore(%run_scoped3A : memref<!tpu.dma_semaphore, #tpu.memory_space<semaphore_mem>>) src(%arg10 : memref<512xf32, #tpu.memory_space<vmem>>) dst(%dma_wait3A_137 : memref<512xf32, #tpu.memory_space<hbm>>)
      tpu.yield
    }) : () -> ()
    return
  }
}

</mosaic_0001>

<sc_bundles>
// kernel: kernel.3.cloned.1.call-start
scs
__scs_entry_jumppad:
0x0: {  	(pc) =	sbr.rel $0x88, $3  }
0x1: {  	(tag) =	ssettag $0x0;
	lr =	simm.s32 $0x1  }
0x2: {  	[smem:$0x3F9D] =	sst lr;
	_ =	strace $0xD0000000  }
0x3: {  	_ = 	snop  }
0x4: {  	_ = 	snop  }
0x5: {  	_ = 	snop  }
0x6: {  	_ = 	snop  }
0x7: {  	_ = 	snop  }
__scs_overlays_trampoline_lowered:
0x8: {  	[smem:$0x3FAC] =	sst s0  }
0x9: {  	[smem:$0x3FAD] =	sst s1  }
0xa: {  	[smem:$0x3FAE] =	sst s2  }
0xb: {  	[smem:$0x3FAF] =	sst s3  }
0xc: {  	[smem:$0x3FB0] =	sst s4  }
0xd: {  	[smem:$0x3FB1] =	sst s5  }
0xe: {  	[smem:$0x3FB2] =	sst s6  }
0xf: {  	[smem:$0x3FB3] =	sst s7  }
0x10: {  	[smem:$0x3FB4] =	sst s8  }
0x11: {  	[smem:$0x3FB5] =	sst s9;
	s0 =	simm.s32 @!p0 $0x0  }
0x12: {  	s1 =	sld [smem:$0x3F9B];
	s0 =	simm.s32 @p0 $0x1  }
0x13: {  	[smem:$0x3FB6] =	sst s0;
	s0 =	simm.s32 @!p1 $0x0  }
0x14: {  	s2 =	sld [smem:$0x3F9A];
	s0 =	simm.s32 @p1 $0x1  }
0x15: {  	[smem:$0x3FB7] =	sst s0;
	s0 =	simm.s32 @!p2 $0x0  }
0x16: {  	s3 =	sld [smem:$0x3FDB];
	s0 =	simm.s32 @p2 $0x1  }
0x17: {  	s4 =	simm.s32 $0x1BF5;
	[smem:$0x3FB9] =	sst s0  }
0x18: {  	s0 =	sld [smem:$0x3F9C];
	_ =	swait.ge [sflag:s4], $0x0  }
0x19: {  	s7 =	sld [smem:$0x3F9D]  }
0x1a: {  	s8 =	sadd.s32 $0xFFFFE003, lr  }
0x1b: {  	s9 =	sadd.s32 $0xFFFFFEF7, lr;
	s5 =	simm.s32 $0xFFFFFFFF;
	p2 =	slt.u32 s8, $0xFFFFF086  }
0x1c: {  	p1 =	slt.u32 s9, $0xF7A;
	s5 =	simm.s32 @!p2 $0x0  }
0x1d: {  	s5 =	simm.s32 @p1 $0x1;
	p0 =	seq.s32 s7, s2  }
0x1e: {  	s7 =	smul.u32 @!p0 $0xF7A, s2;
	p2 =	seq.s32 @!p0 s5, $0x0  }
0x1f: {  	s9 =	smul.u32 $0xF7A, s1;
	s8 =	simm.s32 @!p0 $0x1BF5;
	p2 =	por !p2, p0  }
0x20: {  	[sflag:s8] =	ssyncset.s32 @!p0 $0xFFFFF086;
	s6 =	sadd.s32 @!p0 s3, s7;
	s7 =	simm.s32 @!p0 $0x108  }
0x21: {  	s3 =	sadd.s32 s3, s9;
	s6 =	sadd.s32 @!p0 $0x88, s6;
	s7 =	simm.s32 @p2 $0x1082  }
0x22: {  	[simem:s7], [sflag:s8] =	dma.local @!p0 [hbm:s6], $0xF7A  }
0x23: {  	s9 =	sor.u32 $0xD0000000, s2;
	s6 =	simm.s32 $0x108;
	_ =	swait.ge @!p0 [sflag:s8], $0x0  }
0x24: {  	s3 =	sadd.s32 $0x88, s3;
	s6 =	simm.s32 @!p1 $0x1082;
	[sflag:s4] =	ssyncset.s32 $0xFFFFF086  }
0x25: {  	[simem:s6], [sflag:s4] =	dma.local [hbm:s3], $0xF7A  }
0x26: {  	[smem:$0x3F9D] =	sst s1;
	(tag) =	ssettag s2;
	_ =	strace s9  }
0x27: {  	s1 =	sld [smem:$0x3FAD]  }
0x28: {  	s2 =	sld [smem:$0x3FAE]  }
0x29: {  	s4 =	sld [smem:$0x3FB0]  }
0x2a: {  	p0 =	seq.s32 s5, $0x0;
	s5 =	sld [smem:$0x3FB1]  }
0x2b: {  	s6 =	sld [smem:$0x3FB2]  }
0x2c: {  	s7 =	sld [smem:$0x3FB3]  }
0x2d: {  	s3 =	simm.s32 $0x108;
	s8 =	sld [smem:$0x3FB4]  }
0x2e: {  	s3 =	simm.s32 @!p0 $0x1082;
	s9 =	sld [smem:$0x3FB5]  }
0x2f: {  	lr =	sadd.s32 s0, s3;
	s0 =	sld [smem:$0x3FAC]  }
0x30: {  	s3 =	sld [smem:$0x3FAF]  }
0x31: {  	[smem:$0x3FB8] =	sst s10  }
0x32: {  	s10 =	sld [smem:$0x3FB6];
	_ =	sdelay $0x3  }
0x33: {  	p0 =	seq.s32 s10, $0x1;
	s10 =	sld [smem:$0x3FB8];
	_ =	sdelay $0x3  }
0x34: {  	[smem:$0x3FB8] =	sst s10  }
0x35: {  	s10 =	sld [smem:$0x3FB7];
	_ =	sdelay $0x3  }
0x36: {  	p1 =	seq.s32 s10, $0x1;
	s10 =	sld [smem:$0x3FB8];
	_ =	sdelay $0x3  }
0x37: {  	[smem:$0x3FB8] =	sst s10  }
0x38: {  	s10 =	sld [smem:$0x3FB9]  }
0x39: {  	_ = 	snop;
	(pc) =	sbr.ind lr, $3  }
0x3a: {  	_ = 	snop  }
0x3b: {  	_ = 	snop  }
0x3c: {  	p2 =	seq.s32 s10, $0x1;
	s10 =	sld [smem:$0x3FB8]  }
0x3d: {  	_ =	shalt  }
0x3e: {  	_ =	shalt  }
0x3f: {  	_ =	shalt  }
0x40: {  	_ =	shalt  }
0x41: {  	_ =	shalt  }
0x42: {  	_ =	shalt  }
0x43: {  	_ =	shalt  }
0x44: {  	_ =	shalt  }
0x45: {  	_ =	shalt  }
0x46: {  	_ =	shalt  }
0x47: {  	_ =	shalt  }
0x48: {  	_ =	shalt  }
0x49: {  	_ =	shalt  }
0x4a: {  	_ =	shalt  }
0x4b: {  	_ =	shalt  }
0x4c: {  	_ =	shalt  }
0x4d: {  	_ =	shalt  }
0x4e: {  	_ =	shalt  }
0x4f: {  	_ =	shalt  }
0x50: {  	_ =	shalt  }
0x51: {  	_ =	shalt  }
0x52: {  	_ =	shalt  }
0x53: {  	_ =	shalt  }
0x54: {  	_ =	shalt  }
0x55: {  	_ =	shalt  }
0x56: {  	_ =	shalt  }
0x57: {  	_ =	shalt  }
0x58: {  	_ =	shalt  }
0x59: {  	_ =	shalt  }
0x5a: {  	_ =	shalt  }
0x5b: {  	_ =	shalt  }
0x5c: {  	_ =	shalt  }
0x5d: {  	_ =	shalt  }
0x5e: {  	_ =	shalt  }
0x5f: {  	_ =	shalt  }
0x60: {  	_ =	shalt  }
0x61: {  	_ =	shalt  }
0x62: {  	_ =	shalt  }
0x63: {  	_ =	shalt  }
0x64: {  	_ =	shalt  }
0x65: {  	_ =	shalt  }
0x66: {  	_ =	shalt  }
0x67: {  	_ =	shalt  }
0x68: {  	_ =	shalt  }
0x69: {  	_ =	shalt  }
0x6a: {  	_ =	shalt  }
0x6b: {  	_ =	shalt  }
0x6c: {  	_ =	shalt  }
0x6d: {  	_ =	shalt  }
0x6e: {  	_ =	shalt  }
0x6f: {  	_ =	shalt  }
0x70: {  	_ =	shalt  }
0x71: {  	_ =	shalt  }
0x72: {  	_ =	shalt  }
0x73: {  	_ =	shalt  }
0x74: {  	_ =	shalt  }
0x75: {  	_ =	shalt  }
0x76: {  	_ =	shalt  }
0x77: {  	_ =	shalt  }
0x78: {  	_ =	shalt  }
0x79: {  	_ =	shalt  }
0x7a: {  	_ =	shalt  }
0x7b: {  	_ =	shalt  }
0x7c: {  	_ =	shalt  }
0x7d: {  	_ =	shalt  }
0x7e: {  	_ =	shalt  }
0x7f: {  	_ =	shalt  }
0x80: {  	_ =	shalt  }
0x81: {  	_ =	shalt  }
0x82: {  	_ =	shalt  }
0x83: {  	_ =	shalt  }
0x84: {  	_ =	shalt  }
0x85: {  	_ =	shalt  }
0x86: {  	_ =	shalt  }
0x87: {  	_ =	shalt  }
.Lfunc_end0:
.L_simem_size_0:
called_computation.1_lowered:
.L_overlay_start_0:
0x88: {  	s2 =	sld [smem:$0x3FD9]  }
0x89: {  	s3 =	sld [smem:$0x3FFE];
	_ =	sdelay $0x1  }
0x8a: {  	s1 =	srdreg.scid  }
0x8b: {  	s0 =	sand.u32 $0x1, s1  }
0x8c: {  	s17 =	sshll.u32 s0, $0xA;
	s2 =	sadd.s32 s3, s2  }
0x8d: {  	s2 =	sadd.s32 s2, s17  }
0x8e: {  	[smem:$0x3FC4] =	sst s2  }
0x8f: {  	_ = 	snop  }
0x90: {  	s2 =	sld [smem:$0x3FC9]  }
0x91: {  	s18 =	sld [smem:$0x3FD0];
	(tm) =	ssettm $0x1  }
0x92: {  	s4 =	sld [smem:$0x3FFB];
	_ =	sdelay $0x3  }
0x93: {  	_ =	strace s4  }
0x94: {  	s4 =	sld [smem:$0x3FFC];
	_ =	sdelay $0x3  }
0x95: {  	_ =	strace s4  }
0x96: {  	s4 =	sld [smem:$0x3FFD];
	_ =	sdelay $0x3  }
0x97: {  	_ =	strace s4  }
0x98: {  	_ =	strace $0x8FFFFFFF  }
0x99: {  	s19 =	sld [smem:$0x3FDB];
	_ =	sdelay $0x1  }
0x9a: {  	s5 =	simm.s32 $_scs_section_size  }
0x9b: {  	s6 =	simm.s32 $_size__tile_overlayer_lowered;
	s7 =	simm.s32 $_tile_overlayer_lowered  }
0x9c: {  	s22 =	simm.s32 $0x1BFF;
	s21 =	sshll.u32 s7, $0x1;
	s4 =	sadd.s32 s5, s19  }
0x9d: {  	s8 =	simm.s32 $0x0;
	s20 =	sshll.u32 s6, $0x1;
	s6 =	sadd.s32 s21, s4  }
0x9e: {  	[timem:s8], [sflag:s22] =	dma.local [hbm:s6], s20  }
0x9f: {  	_ =	swait.ge [sflag:s22], s20  }
0xa0: {  	s5 =	ssub.s32 $0x0, s20;
	[sflag:s22] =	ssyncset.done $0x0  }
0xa1: {  	[sflag:s22] =	ssyncadd.s32 s5;
	_ =	sdelay $0x1  }
0xa2: {  	s23 =	simm.s32 $0x1B8B  }
0xa3: {  	_ =	swait.ge [sflag:s23], $0x1  }
0xa4: {  	[sflag:s23] =	ssyncset.done $0x0  }
0xa5: {  	s25 =	simm.s32 $0x1B8E;
	s24 =	sld [smem:$0x3FFE];
	[sflag:s23] =	ssyncadd.s32 $0xFFFFFFFF  }
0xa6: {  	s26 =	simm.s32 $execute0_lowered;
	[smem:$0x3FD2] =	sst s25  }
0xa7: {  	s6 =	sshll.u32 s26, $0x1;
	_ =	strace $0x80000049;
	[dreg:$0x1] =	wrdreg $0xFFFFFFFF  }
0xa8: {  	s28 =	simm.s32 $_size_execute0_lowered;
	s4 =	sadd.s32 s4, s6;
	[dreg:$0x0] =	wrdreg $0x0  }
0xa9: {  	s6 =	sshll.u32 s28, $0x1;
	[dreg:$0x2] =	wrdreg s4  }
0xaa: {  	[dreg:$0x3] =	wrdreg s6  }
0xab: {  	[dreg:$0x4] =	wrdreg $0xC0  }
0xac: {  	_ =	task [dreg:s8], $0x5FFFF  }
0xad: {  	[dreg:$0x1] =	wrdreg $0xFFFFFFFF  }
0xae: {  	[dreg:$0x0] =	wrdreg $0x60  }
0xaf: {  	[dreg:$0x2] =	wrdreg s2  }
0xb0: {  	[dreg:$0x3] =	wrdreg s24  }
0xb1: {  	[dreg:$0x4] =	wrdreg s18  }
0xb2: {  	[dreg:$0x5] =	wrdreg $0x9  }
0xb3: {  	_ =	task.clear_ibuf [dreg:s8], $0x6FFFF;
	_ =	strace $0x90000049  }
0xb4: {  	s29 =	simm.s32 $0x9;
	_ =	strace $0x8000004B  }
0xb5: {  	_ =	swait.ge [sflag:s29], $0x1  }
0xb6: {  	[sflag:s29] =	ssyncadd.s32 $0xFFFFFFFF  }
0xb7: {  	_ =	strace $0x9000004B  }
0xb8: {  	_ =	sfence  }
0xb9: {  	s30 =	sld [smem:$0x0];
	_ =	sdelay $0x2  }
0xba: {  	s31 =	sshll.u32 s1, $0xD;
	s1 =	sshrl.u32 s1, $0x2  }
0xbb: {  	s3 =	sand.u32 $0x4000, s31;
	s1 =	sadd.s32 s1, s30  }
0xbc: {  	s0 =	sor.u32 s3, s0;
	s1 =	sshll.u32 s1, $0x11  }
0xbd: {  	s0 =	sor.u32 s1, s0  }
0xbe: {  	s0 =	sadd.s32 $0x8F2B, s0  }
0xbf: {  	[sflag:s0] =	ssyncadd.remote.s32 $0x1  }
0xc0: {  	_ =	sfence.sel $0xFFFF  }
0xc1: {  	[dreg:$0x0] =	wrdreg $0xFFFFFFFF;
	(pc) =	sbr.abs _section_cstart, $3  }
0xc2: {  	[dreg:$0x1] =	wrdreg $0xFFFFFFFF  }
0xc3: {  	_ =	task.clear_ibuf [dreg:s8], $0x2FFFF;
	_ =	strace $0x9FFFFFFF  }
0xc4: {  	(tm) =	ssettm $0x7FFFFFFF  }
0xc5: {  	_ =	shalt  }
tec
execute0_lowered:
.L_overlay_start_1:
0x0: {  	(tag) =	ssettag $0x1  }
0x1: {  	s4 =	rddreg [dreg:$0x0]  }
0x2: {  	s3 =	rddreg [dreg:$0x1]  }
0x3: {  	s6 =	rddreg [dreg:$0x2]  }
0x4: {  	s0 =	rddreg [dreg:$0x3];
	s5 =	srdreg.scid  }
0x5: {  	s2 =	simm.s32 $0x0;
	s1 =	stileid.u32;
	s10 =	simm.s32 $0x80  }
0x6: {  	s11 =	simm.s32 $0x400;
	s12 =	simm.s32 $0x4400;
	s13 =	simm.s32 $0x1400  }
0x7: {  	s14 =	simm.s32 $0x280;
	s15 =	simm.s32 $0x5400;
	s16 =	simm.s32 $0x100  }
0x8: {  	s17 =	simm.s32 $0x2400;
	s18 =	simm.s32 $0x300;
	s19 =	simm.s32 $0x6400  }
0x9: {  	s20 =	simm.s32 $0x180;
	s21 =	simm.s32 $0x3400;
	s22 =	simm.s32 $0x380  }
0xa: {  	s23 =	simm.s32 $0x7400;
	s24 =	simm.s32 $0x1;
	s25 =	simm.s32 $0x8400  }
0xb: {  	s26 =	simm.s32 $0x0;
	s5 =	sand.u32 $0x1, s5;
	[smem:$0x7FF] =	sst s2  }
0xc: {  	s7 =	sshll.u32 s1, $0x7;
	s8 =	sshll.u32 s5, $0x6;
	s5 =	ssub.s32 $0x2, s5  }
0xd: {  	_ =	strace $0x8000004A;
	s7 =	sor.u32 s8, s7;
	s9 =	sshrl.u32 s5, $0x1  }
0xe: {  	v0 =	vlaneseq.u32;
	s8 =	sadd.s32 s7, s3;
	s3 =	sadd.s32 $0xA00, s3;
	s9 =	ssub.s32 s5, s9  }
0xf: {  	v0 =	vmul.u32 $0x20, v0;
	s4 =	sadd.s32 s4, s7;
	s6 =	sadd.s32 s6, s7;
	s5 =	sadd.s32 $0x2626400, s8  }
0x10: {  	s7 =	smax.u32 s9, $0x1;
	s8 =	simm.s32 $0x2;
	s9 =	simm.s32 $0x200  }
.LBB2_1:
0x11: {  	[tilespmem:s2], [sflag:$0x2] =	stream.linear.gather [hbm4b:s4+s2], $0x200, $0x38;
	[tilespmem:$0x8600] =	vst v63  }
0x12: {  	_ =	swait.ge [sflag:s8], $0x200  }
0x13: {  	[sflag:s8] =	ssyncset.done $0x0  }
0x14: {  	[sflag:s8] =	ssyncadd.s32 $0xFFFFFE00  }
0x15: {  	[tilespmem:s9], [sflag:$0x2] =	stream.linear.gather [hbm4b:s5+s2], $0x200, $0x38;
	[tilespmem:$0x8600] =	vst v63  }
0x16: {  	_ =	swait.ge [sflag:s8], $0x200  }
0x17: {  	[sflag:s8] =	ssyncset.done $0x0  }
0x18: {  	[sflag:s8] =	ssyncadd.s32 $0xFFFFFE00  }
0x19: {  	[tilespmem:s11], [sflag:$0x1] =	stream.indirect.gather [hbm4b:s3+s10], $0x20, s2, s10, $0xb8;
	[tilespmem:$0x8600] =	vst v63  }
0x1a: {  	_ = 	snop  }
0x1b: {  	[tilespmem:s12], [sflag:$0x1] =	stream.indirect.gather [hbm4b:s3+s10], $0x20, s9, s10, $0xb8;
	[tilespmem:$0x8600] =	vst v63  }
0x1c: {  	_ = 	snop  }
0x1d: {  	[tilespmem:s13], [sflag:$0x1] =	stream.indirect.gather [hbm4b:s3+s10], $0x20, s10, s10, $0xb8;
	[tilespmem:$0x8600] =	vst v63  }
0x1e: {  	_ = 	snop  }
0x1f: {  	[tilespmem:s15], [sflag:$0x1] =	stream.indirect.gather [hbm4b:s3+s10], $0x20, s14, s10, $0xb8;
	[tilespmem:$0x8600] =	vst v63  }
0x20: {  	_ = 	snop  }
0x21: {  	[tilespmem:s17], [sflag:$0x1] =	stream.indirect.gather [hbm4b:s3+s10], $0x20, s16, s10, $0xb8;
	[tilespmem:$0x8600] =	vst v63  }
0x22: {  	_ = 	snop  }
0x23: {  	[tilespmem:s19], [sflag:$0x1] =	stream.indirect.gather [hbm4b:s3+s10], $0x20, s18, s10, $0xb8;
	[tilespmem:$0x8600] =	vst v63  }
0x24: {  	_ = 	snop  }
0x25: {  	[tilespmem:s21], [sflag:$0x1] =	stream.indirect.gather [hbm4b:s3+s10], $0x20, s20, s10, $0xb8;
	[tilespmem:$0x8600] =	vst v63  }
0x26: {  	_ = 	snop  }
0x27: {  	[tilespmem:s23], [sflag:$0x1] =	stream.indirect.gather [hbm4b:s3+s10], $0x20, s22, s10, $0xb8;
	[tilespmem:$0x8600] =	vst v63  }
0x28: {  	_ =	swait.ge [sflag:s24], $0x1000  }
0x29: {  	[sflag:s24] =	ssyncset.done $0x0  }
0x2a: {  	[sflag:s24] =	ssyncadd.s32 $0xFFFFF000  }
0x2b: {  	_ =	swait.ge [sflag:s24], $0x1000  }
0x2c: {  	[sflag:s24] =	ssyncset.done $0x0  }
0x2d: {  	[sflag:s24] =	ssyncadd.s32 $0xFFFFF000  }
0x2e: {  	_ =	swait.ge [sflag:s24], $0x1000  }
0x2f: {  	[sflag:s24] =	ssyncset.done $0x0  }
0x30: {  	[sflag:s24] =	ssyncadd.s32 $0xFFFFF000  }
0x31: {  	_ =	swait.ge [sflag:s24], $0x1000  }
0x32: {  	[sflag:s24] =	ssyncset.done $0x0  }
0x33: {  	[sflag:s24] =	ssyncadd.s32 $0xFFFFF000  }
0x34: {  	_ =	swait.ge [sflag:s24], $0x1000  }
0x35: {  	[sflag:s24] =	ssyncset.done $0x0  }
0x36: {  	[sflag:s24] =	ssyncadd.s32 $0xFFFFF000  }
0x37: {  	_ =	swait.ge [sflag:s24], $0x1000  }
0x38: {  	[sflag:s24] =	ssyncset.done $0x0  }
0x39: {  	v1 =	vmov s2;
	[sflag:s24] =	ssyncadd.s32 $0xFFFFF000  }
0x3a: {  	v1 =	vshll.u32 v1, $0x5;
	_ =	swait.ge [sflag:s24], $0x1000  }
0x3b: {  	v1 =	vor.u32 v0, v1;
	[sflag:s24] =	ssyncset.done $0x0  }
0x3c: {  	[sflag:s24] =	ssyncadd.s32 $0xFFFFF000  }
0x3d: {  	v2 =	vor.u32 $0x1, v1;
	_ =	swait.ge [sflag:s24], $0x1000  }
0x3e: {  	[sflag:s24] =	ssyncset.done $0x0  }
0x3f: {  	v3 =	vor.u32 $0x2, v1;
	[sflag:s24] =	ssyncadd.s32 $0xFFFFF000  }
0x40: {  	v4 =	vld.idx.msk [tilespmem:v1+s12+$0x0], $0xffff  }
0x41: {  	v6 =	vor.u32 $0x3, v1;
	v5 =	vld.idx.msk [tilespmem:v1+s11+$0x0], $0xffff  }
0x42: {  	v7 =	vld.idx.msk [tilespmem:v2+s11+$0x0], $0xffff  }
0x43: {  	v8 =	vor.u32 $0x4, v1;
	v2 =	vld.idx.msk [tilespmem:v2+s12+$0x0], $0xffff  }
0x44: {  	v9 =	vld.idx.msk [tilespmem:v3+s11+$0x0], $0xffff  }
0x45: {  	v10 =	vor.u32 $0x5, v1;
	v3 =	vld.idx.msk [tilespmem:v3+s12+$0x0], $0xffff  }
0x46: {  	v11 =	vld.idx.msk [tilespmem:v6+s11+$0x0], $0xffff;
	v4 =	vmul.f32 v4, v5  }
0x47: {  	v5 =	vld.idx.msk [tilespmem:v6+s12+$0x0], $0xffff;
	v6 =	vor.u32 $0x6, v1  }
0x48: {  	v12 =	vld.idx.msk [tilespmem:v8+s11+$0x0], $0xffff;
	v2 =	vmul.f32 v2, v7;
	v4 =	vadd.f32 $0.0e+00, v4  }
0x49: {  	v25 =	vor.u32 $0x7, v1;
	v7 =	vld.idx.msk [tilespmem:v8+s12+$0x0], $0xffff  }
0x4a: {  	v13 =	vld.idx.msk [tilespmem:v10+s11+$0x0], $0xffff;
	v3 =	vmul.f32 v3, v9;
	v2 =	vadd.f32 v2, v4  }
0x4b: {  	v26 =	vor.u32 $0x8, v1;
	v4 =	vld.idx.msk [tilespmem:v10+s12+$0x0], $0xffff  }
0x4c: {  	v27 =	vld.idx.msk [tilespmem:v6+s11+$0x0], $0xffff;
	v2 =	vadd.f32 v3, v2;
	v3 =	vmul.f32 v5, v11  }
0x4d: {  	v5 =	vld.idx.msk [tilespmem:v6+s12+$0x0], $0xffff;
	v6 =	vor.u32 $0x9, v1  }
0x4e: {  	v28 =	vld.idx.msk [tilespmem:v25+s11+$0x0], $0xffff;
	v2 =	vadd.f32 v3, v2;
	v3 =	vmul.f32 v7, v12  }
0x4f: {  	v29 =	vor.u32 $0xA, v1;
	v7 =	vld.idx.msk [tilespmem:v25+s12+$0x0], $0xffff  }
0x50: {  	v30 =	vld.idx.msk [tilespmem:v26+s11+$0x0], $0xffff;
	v2 =	vadd.f32 v3, v2;
	v3 =	vmul.f32 v4, v13  }
0x51: {  	v31 =	vor.u32 $0xB, v1;
	v4 =	vld.idx.msk [tilespmem:v26+s12+$0x0], $0xffff  }
0x52: {  	v32 =	vld.idx.msk [tilespmem:v6+s11+$0x0], $0xffff;
	v2 =	vadd.f32 v3, v2;
	v3 =	vmul.f32 v5, v27  }
0x53: {  	v5 =	vld.idx.msk [tilespmem:v6+s12+$0x0], $0xffff;
	v6 =	vor.u32 $0xC, v1  }
0x54: {  	v33 =	vld.idx.msk [tilespmem:v29+s11+$0x0], $0xffff;
	v2 =	vadd.f32 v3, v2;
	v3 =	vmul.f32 v7, v28  }
0x55: {  	v34 =	vor.u32 $0xD, v1;
	v7 =	vld.idx.msk [tilespmem:v29+s12+$0x0], $0xffff  }
0x56: {  	v35 =	vld.idx.msk [tilespmem:v31+s11+$0x0], $0xffff;
	v2 =	vadd.f32 v3, v2;
	v3 =	vmul.f32 v4, v30  }
0x57: {  	v36 =	vor.u32 $0xE, v1;
	v4 =	vld.idx.msk [tilespmem:v31+s12+$0x0], $0xffff  }
0x58: {  	v37 =	vld.idx.msk [tilespmem:v6+s11+$0x0], $0xffff;
	v2 =	vadd.f32 v3, v2;
	v3 =	vmul.f32 v5, v32  }
0x59: {  	v5 =	vld.idx.msk [tilespmem:v6+s12+$0x0], $0xffff;
	v6 =	vor.u32 $0xF, v1  }
0x5a: {  	v38 =	vld.idx.msk [tilespmem:v34+s11+$0x0], $0xffff;
	v2 =	vadd.f32 v3, v2;
	v3 =	vmul.f32 v7, v33  }
0x5b: {  	v39 =	vor.u32 $0x10, v1;
	v7 =	vld.idx.msk [tilespmem:v34+s12+$0x0], $0xffff  }
0x5c: {  	v40 =	vld.idx.msk [tilespmem:v36+s11+$0x0], $0xffff;
	v2 =	vadd.f32 v3, v2;
	v3 =	vmul.f32 v4, v35  }
0x5d: {  	v41 =	vor.u32 $0x11, v1;
	v4 =	vld.idx.msk [tilespmem:v36+s12+$0x0], $0xffff  }
0x5e: {  	v42 =	vld.idx.msk [tilespmem:v6+s11+$0x0], $0xffff;
	v2 =	vadd.f32 v3, v2;
	v3 =	vmul.f32 v5, v37  }
0x5f: {  	v5 =	vld.idx.msk [tilespmem:v6+s12+$0x0], $0xffff;
	v6 =	vor.u32 $0x12, v1  }
0x60: {  	v43 =	vld.idx.msk [tilespmem:v39+s11+$0x0], $0xffff;
	v2 =	vadd.f32 v3, v2;
	v3 =	vmul.f32 v7, v38  }
0x61: {  	v44 =	vor.u32 $0x13, v1;
	v7 =	vld.idx.msk [tilespmem:v39+s12+$0x0], $0xffff  }
0x62: {  	v45 =	vld.idx.msk [tilespmem:v41+s11+$0x0], $0xffff;
	v2 =	vadd.f32 v3, v2;
	v3 =	vmul.f32 v4, v40  }
0x63: {  	v46 =	vor.u32 $0x14, v1;
	v4 =	vld.idx.msk [tilespmem:v41+s12+$0x0], $0xffff  }
0x64: {  	v47 =	vld.idx.msk [tilespmem:v6+s11+$0x0], $0xffff;
	v2 =	vadd.f32 v3, v2;
	v3 =	vmul.f32 v5, v42  }
0x65: {  	v5 =	vld.idx.msk [tilespmem:v6+s12+$0x0], $0xffff;
	v6 =	vor.u32 $0x15, v1  }
0x66: {  	v48 =	vld.idx.msk [tilespmem:v44+s11+$0x0], $0xffff;
	v2 =	vadd.f32 v3, v2;
	v3 =	vmul.f32 v7, v43  }
0x67: {  	v49 =	vor.u32 $0x16, v1;
	v7 =	vld.idx.msk [tilespmem:v44+s12+$0x0], $0xffff  }
0x68: {  	v50 =	vld.idx.msk [tilespmem:v46+s11+$0x0], $0xffff;
	v2 =	vadd.f32 v3, v2;
	v3 =	vmul.f32 v4, v45  }
0x69: {  	v51 =	vor.u32 $0x17, v1;
	v4 =	vld.idx.msk [tilespmem:v46+s12+$0x0], $0xffff  }
0x6a: {  	v52 =	vld.idx.msk [tilespmem:v6+s11+$0x0], $0xffff;
	v2 =	vadd.f32 v3, v2;
	v3 =	vmul.f32 v5, v47  }
0x6b: {  	v5 =	vld.idx.msk [tilespmem:v6+s12+$0x0], $0xffff;
	v6 =	vor.u32 $0x18, v1  }
0x6c: {  	v53 =	vld.idx.msk [tilespmem:v49+s11+$0x0], $0xffff;
	v2 =	vadd.f32 v3, v2;
	v3 =	vmul.f32 v7, v48  }
0x6d: {  	v54 =	vor.u32 $0x19, v1;
	v7 =	vld.idx.msk [tilespmem:v49+s12+$0x0], $0xffff  }
0x6e: {  	v55 =	vld.idx.msk [tilespmem:v51+s11+$0x0], $0xffff;
	v2 =	vadd.f32 v3, v2;
	v3 =	vmul.f32 v4, v50  }
0x6f: {  	v56 =	vor.u32 $0x1A, v1;
	v4 =	vld.idx.msk [tilespmem:v51+s12+$0x0], $0xffff  }
0x70: {  	v57 =	vld.idx.msk [tilespmem:v6+s11+$0x0], $0xffff;
	v2 =	vadd.f32 v3, v2;
	v3 =	vmul.f32 v5, v52  }
0x71: {  	v5 =	vld.idx.msk [tilespmem:v6+s12+$0x0], $0xffff;
	v6 =	vor.u32 $0x1B, v1  }
0x72: {  	v58 =	vld.idx.msk [tilespmem:v54+s11+$0x0], $0xffff;
	v2 =	vadd.f32 v3, v2;
	v3 =	vmul.f32 v7, v53  }
0x73: {  	v59 =	vor.u32 $0x1C, v1;
	v7 =	vld.idx.msk [tilespmem:v54+s12+$0x0], $0xffff  }
0x74: {  	v60 =	vld.idx.msk [tilespmem:v56+s11+$0x0], $0xffff;
	v2 =	vadd.f32 v3, v2;
	v3 =	vmul.f32 v4, v55  }
0x75: {  	v61 =	vor.u32 $0x1D, v1;
	v4 =	vld.idx.msk [tilespmem:v56+s12+$0x0], $0xffff  }
0x76: {  	v62 =	vld.idx.msk [tilespmem:v6+s11+$0x0], $0xffff;
	v2 =	vadd.f32 v3, v2;
	v3 =	vmul.f32 v5, v57  }
0x77: {  	v5 =	vld.idx.msk [tilespmem:v6+s12+$0x0], $0xffff;
	v6 =	vor.u32 $0x1E, v1  }
0x78: {  	v63 =	vld.idx.msk [tilespmem:v59+s11+$0x0], $0xffff;
	v2 =	vadd.f32 v3, v2;
	v3 =	vmul.f32 v7, v58  }
0x79: {  	v1 =	vor.u32 $0x1F, v1;
	v7 =	vld.idx.msk [tilespmem:v59+s12+$0x0], $0xffff  }
0x7a: {  	v15 =	vld.idx.msk [tilespmem:v61+s11+$0x0], $0xffff;
	v2 =	vadd.f32 v3, v2;
	v3 =	vmul.f32 v4, v60  }
0x7b: {  	v4 =	vld.idx.msk [tilespmem:v61+s12+$0x0], $0xffff  }
0x7c: {  	v16 =	vld.idx.msk [tilespmem:v6+s11+$0x0], $0xffff;
	v2 =	vadd.f32 v3, v2;
	v3 =	vmul.f32 v5, v62  }
0x7d: {  	v5 =	vld.idx.msk [tilespmem:v6+s12+$0x0], $0xffff  }
0x7e: {  	v6 =	vld.idx.msk [tilespmem:v1+s11+$0x0], $0xffff;
	v2 =	vadd.f32 v3, v2;
	v3 =	vmul.f32 v7, v63  }
0x7f: {  	v7 =	vld.idx.msk [tilespmem:v1+s12+$0x0], $0xffff  }
0x80: {  	v1 =	vadd.f32 v3, v2;
	v2 =	vmul.f32 v4, v15  }
0x81: {  	s28 =	simm.s32 $0x10  }
0x82: {  	v3 =	vmov s28;
	v4 =	vmul.f32 v5, v16;
	v2 =	vadd.f32 v2, v1  }
0x83: {  	v1 =	vshll.u32 v3, $0x5  }
0x84: {  	v1 =	vor.u32 v0, v1;
	v3 =	vmul.f32 v7, v6;
	v2 =	vadd.f32 v4, v2;
	_ =	sdelay $0x1  }
0x85: {  	v4 =	vor.u32 $0x1, v1;
	v2 =	vadd.f32 v3, v2;
	_ =	sdelay $0x1  }
0x86: {  	v3 =	vor.u32 $0x2, v1;
	[tilespmem:s25+$0x0] =	vst v2  }
0x87: {  	v2 =	vld.idx.msk [tilespmem:v1+s12+$0x0], $0xffff  }
0x88: {  	v6 =	vor.u32 $0x3, v1;
	v5 =	vld.idx.msk [tilespmem:v1+s11+$0x0], $0xffff  }
0x89: {  	v7 =	vld.idx.msk [tilespmem:v4+s11+$0x0], $0xffff  }
0x8a: {  	v17 =	vor.u32 $0x4, v1;
	v4 =	vld.idx.msk [tilespmem:v4+s12+$0x0], $0xffff  }
0x8b: {  	v18 =	vld.idx.msk [tilespmem:v3+s11+$0x0], $0xffff  }
0x8c: {  	v19 =	vor.u32 $0x5, v1;
	v3 =	vld.idx.msk [tilespmem:v3+s12+$0x0], $0xffff  }
0x8d: {  	v20 =	vld.idx.msk [tilespmem:v6+s11+$0x0], $0xffff;
	v2 =	vmul.f32 v2, v5  }
0x8e: {  	v5 =	vld.idx.msk [tilespmem:v6+s12+$0x0], $0xffff;
	v6 =	vor.u32 $0x6, v1  }
0x8f: {  	v21 =	vld.idx.msk [tilespmem:v17+s11+$0x0], $0xffff;
	v4 =	vmul.f32 v4, v7;
	v2 =	vadd.f32 $0.0e+00, v2  }
0x90: {  	v22 =	vor.u32 $0x7, v1;
	v7 =	vld.idx.msk [tilespmem:v17+s12+$0x0], $0xffff  }
0x91: {  	v23 =	vld.idx.msk [tilespmem:v19+s11+$0x0], $0xffff;
	v3 =	vmul.f32 v3, v18;
	v2 =	vadd.f32 v4, v2  }
0x92: {  	v24 =	vor.u32 $0x8, v1;
	v4 =	vld.idx.msk [tilespmem:v19+s12+$0x0], $0xffff  }
0x93: {  	v25 =	vld.idx.msk [tilespmem:v6+s11+$0x0], $0xffff;
	v2 =	vadd.f32 v3, v2;
	v3 =	vmul.f32 v5, v20  }
0x94: {  	v5 =	vld.idx.msk [tilespmem:v6+s12+$0x0], $0xffff;
	v6 =	vor.u32 $0x9, v1  }
0x95: {  	v26 =	vld.idx.msk [tilespmem:v22+s11+$0x0], $0xffff;
	v2 =	vadd.f32 v3, v2;
	v3 =	vmul.f32 v7, v21  }
0x96: {  	v27 =	vor.u32 $0xA, v1;
	v7 =	vld.idx.msk [tilespmem:v22+s12+$0x0], $0xffff  }
0x97: {  	v28 =	vld.idx.msk [tilespmem:v24+s11+$0x0], $0xffff;
	v2 =	vadd.f32 v3, v2;
	v3 =	vmul.f32 v4, v23  }
0x98: {  	v29 =	vor.u32 $0xB, v1;
	v4 =	vld.idx.msk [tilespmem:v24+s12+$0x0], $0xffff  }
0x99: {  	v30 =	vld.idx.msk [tilespmem:v6+s11+$0x0], $0xffff;
	v2 =	vadd.f32 v3, v2;
	v3 =	vmul.f32 v5, v25  }
0x9a: {  	v5 =	vld.idx.msk [tilespmem:v6+s12+$0x0], $0xffff;
	v6 =	vor.u32 $0xC, v1  }
0x9b: {  	v31 =	vld.idx.msk [tilespmem:v27+s11+$0x0], $0xffff;
	v2 =	vadd.f32 v3, v2;
	v3 =	vmul.f32 v7, v26  }
0x9c: {  	v32 =	vor.u32 $0xD, v1;
	v7 =	vld.idx.msk [tilespmem:v27+s12+$0x0], $0xffff  }
0x9d: {  	v33 =	vld.idx.msk [tilespmem:v29+s11+$0x0], $0xffff;
	v2 =	vadd.f32 v3, v2;
	v3 =	vmul.f32 v4, v28  }
0x9e: {  	v34 =	vor.u32 $0xE, v1;
	v4 =	vld.idx.msk [tilespmem:v29+s12+$0x0], $0xffff  }
0x9f: {  	v35 =	vld.idx.msk [tilespmem:v6+s11+$0x0], $0xffff;
	v2 =	vadd.f32 v3, v2;
	v3 =	vmul.f32 v5, v30  }
0xa0: {  	v5 =	vld.idx.msk [tilespmem:v6+s12+$0x0], $0xffff;
	v6 =	vor.u32 $0xF, v1  }
0xa1: {  	v36 =	vld.idx.msk [tilespmem:v32+s11+$0x0], $0xffff;
	v2 =	vadd.f32 v3, v2;
	v3 =	vmul.f32 v7, v31  }
0xa2: {  	v37 =	vor.u32 $0x10, v1;
	v7 =	vld.idx.msk [tilespmem:v32+s12+$0x0], $0xffff  }
0xa3: {  	v38 =	vld.idx.msk [tilespmem:v34+s11+$0x0], $0xffff;
	v2 =	vadd.f32 v3, v2;
	v3 =	vmul.f32 v4, v33  }
0xa4: {  	v39 =	vor.u32 $0x11, v1;
	v4 =	vld.idx.msk [tilespmem:v34+s12+$0x0], $0xffff  }
0xa5: {  	v40 =	vld.idx.msk [tilespmem:v6+s11+$0x0], $0xffff;
	v2 =	vadd.f32 v3, v2;
	v3 =	vmul.f32 v5, v35  }
0xa6: {  	v5 =	vld.idx.msk [tilespmem:v6+s12+$0x0], $0xffff;
	v6 =	vor.u32 $0x12, v1  }
0xa7: {  	v41 =	vld.idx.msk [tilespmem:v37+s11+$0x0], $0xffff;
	v2 =	vadd.f32 v3, v2;
	v3 =	vmul.f32 v7, v36  }
0xa8: {  	v42 =	vor.u32 $0x13, v1;
	v7 =	vld.idx.msk [tilespmem:v37+s12+$0x0], $0xffff  }
0xa9: {  	v43 =	vld.idx.msk [tilespmem:v39+s11+$0x0], $0xffff;
	v2 =	vadd.f32 v3, v2;
	v3 =	vmul.f32 v4, v38  }
0xaa: {  	v44 =	vor.u32 $0x14, v1;
	v4 =	vld.idx.msk [tilespmem:v39+s12+$0x0], $0xffff  }
0xab: {  	v45 =	vld.idx.msk [tilespmem:v6+s11+$0x0], $0xffff;
	v2 =	vadd.f32 v3, v2;
	v3 =	vmul.f32 v5, v40  }
0xac: {  	v5 =	vld.idx.msk [tilespmem:v6+s12+$0x0], $0xffff;
	v6 =	vor.u32 $0x15, v1  }
0xad: {  	v46 =	vld.idx.msk [tilespmem:v42+s11+$0x0], $0xffff;
	v2 =	vadd.f32 v3, v2;
	v3 =	vmul.f32 v7, v41  }
0xae: {  	v47 =	vor.u32 $0x16, v1;
	v7 =	vld.idx.msk [tilespmem:v42+s12+$0x0], $0xffff  }
0xaf: {  	v48 =	vld.idx.msk [tilespmem:v44+s11+$0x0], $0xffff;
	v2 =	vadd.f32 v3, v2;
	v3 =	vmul.f32 v4, v43  }
0xb0: {  	v49 =	vor.u32 $0x17, v1;
	v4 =	vld.idx.msk [tilespmem:v44+s12+$0x0], $0xffff  }
0xb1: {  	v50 =	vld.idx.msk [tilespmem:v6+s11+$0x0], $0xffff;
	v2 =	vadd.f32 v3, v2;
	v3 =	vmul.f32 v5, v45  }
0xb2: {  	v5 =	vld.idx.msk [tilespmem:v6+s12+$0x0], $0xffff;
	v6 =	vor.u32 $0x18, v1  }
0xb3: {  	v51 =	vld.idx.msk [tilespmem:v47+s11+$0x0], $0xffff;
	v2 =	vadd.f32 v3, v2;
	v3 =	vmul.f32 v7, v46  }
0xb4: {  	v52 =	vor.u32 $0x19, v1;
	v7 =	vld.idx.msk [tilespmem:v47+s12+$0x0], $0xffff  }
0xb5: {  	v53 =	vld.idx.msk [tilespmem:v49+s11+$0x0], $0xffff;
	v2 =	vadd.f32 v3, v2;
	v3 =	vmul.f32 v4, v48  }
0xb6: {  	v54 =	vor.u32 $0x1A, v1;
	v4 =	vld.idx.msk [tilespmem:v49+s12+$0x0], $0xffff  }
0xb7: {  	v55 =	vld.idx.msk [tilespmem:v6+s11+$0x0], $0xffff;
	v2 =	vadd.f32 v3, v2;
	v3 =	vmul.f32 v5, v50  }
0xb8: {  	v5 =	vld.idx.msk [tilespmem:v6+s12+$0x0], $0xffff;
	v6 =	vor.u32 $0x1B, v1  }
0xb9: {  	v56 =	vld.idx.msk [tilespmem:v52+s11+$0x0], $0xffff;
	v2 =	vadd.f32 v3, v2;
	v3 =	vmul.f32 v7, v51  }
0xba: {  	v57 =	vor.u32 $0x1C, v1;
	v7 =	vld.idx.msk [tilespmem:v52+s12+$0x0], $0xffff  }
0xbb: {  	v58 =	vld.idx.msk [tilespmem:v54+s11+$0x0], $0xffff;
	v2 =	vadd.f32 v3, v2;
	v3 =	vmul.f32 v4, v53  }
0xbc: {  	v4 =	vld.idx.msk [tilespmem:v54+s12+$0x0], $0xffff  }
0xbd: {  	v60 =	vld.idx.msk [tilespmem:v6+s11+$0x0], $0xffff;
	v2 =	vadd.f32 v3, v2;
	v3 =	vmul.f32 v5, v55  }
0xbe: {  	v59 =	vor.u32 $0x1D, v1;
	v5 =	vld.idx.msk [tilespmem:v6+s12+$0x0], $0xffff  }
0xbf: {  	v61 =	vld.idx.msk [tilespmem:v57+s11+$0x0], $0xffff;
	v2 =	vadd.f32 v3, v2;
	v3 =	vmul.f32 v7, v56  }
0xc0: {  	v6 =	vor.u32 $0x1E, v1;
	v7 =	vld.idx.msk [tilespmem:v57+s12+$0x0], $0xffff  }
0xc1: {  	v2 =	vadd.f32 v3, v2;
	v3 =	vmul.f32 v4, v58  }
0xc2: {  	v1 =	vor.u32 $0x1F, v1  }
0xc3: {  	v62 =	vld.idx.msk [tilespmem:v59+s11+$0x0], $0xffff;
	v2 =	vadd.f32 v3, v2;
	v3 =	vmul.f32 v5, v60  }
0xc4: {  	v4 =	vld.idx.msk [tilespmem:v59+s12+$0x0], $0xffff  }
0xc5: {  	v63 =	vld.idx.msk [tilespmem:v6+s11+$0x0], $0xffff;
	v2 =	vadd.f32 v3, v2;
	v3 =	vmul.f32 v7, v61  }
0xc6: {  	v5 =	vld.idx.msk [tilespmem:v6+s12+$0x0], $0xffff  }
0xc7: {  	v6 =	vadd.f32 v3, v2;
	v2 =	vld.idx.msk [tilespmem:v1+s11+$0x0], $0xffff  }
0xc8: {  	v3 =	vld.idx.msk [tilespmem:v1+s12+$0x0], $0xffff  }
0xc9: {  	v4 =	vmul.f32 v4, v62  }
0xca: {  	s28 =	simm.s32 $0x20  }
0xcb: {  	v7 =	vmov s28;
	v5 =	vmul.f32 v5, v63;
	v4 =	vadd.f32 v4, v6  }
0xcc: {  	s29 =	simm.s32 $0x30;
	s28 =	simm.s32 $0x8400;
	v1 =	vshll.u32 v7, $0x5  }
.LBB2_2:
0xcd: {  	p0 =	sne.s32 s29, $0x1F0;
	v1 =	vor.u32 v0, v1;
	v4 =	vadd.f32 v5, v4;
	v2 =	vmul.f32 v3, v2;
	_ =	sdelay $0x1  }
0xce: {  	v3 =	vor.u32 $0x1, v1;
	v2 =	vadd.f32 v2, v4  }
0xcf: {  	s28 =	sadd.s32 $0x10, s28  }
0xd0: {  	v4 =	vor.u32 $0x2, v1;
	[tilespmem:s28+$0x0] =	vst v2  }
0xd1: {  	v2 =	vld.idx.msk [tilespmem:v1+s12+$0x0], $0xffff  }
0xd2: {  	v6 =	vor.u32 $0x3, v1;
	v5 =	vld.idx.msk [tilespmem:v1+s11+$0x0], $0xffff  }
0xd3: {  	v7 =	vld.idx.msk [tilespmem:v3+s11+$0x0], $0xffff  }
0xd4: {  	v8 =	vor.u32 $0x4, v1;
	v3 =	vld.idx.msk [tilespmem:v3+s12+$0x0], $0xffff  }
0xd5: {  	v9 =	vld.idx.msk [tilespmem:v4+s11+$0x0], $0xffff  }
0xd6: {  	v10 =	vor.u32 $0x5, v1;
	v4 =	vld.idx.msk [tilespmem:v4+s12+$0x0], $0xffff  }
0xd7: {  	v11 =	vld.idx.msk [tilespmem:v6+s11+$0x0], $0xffff  }
0xd8: {  	v2 =	vmul.f32 v2, v5;
	v5 =	vld.idx.msk [tilespmem:v6+s12+$0x0], $0xffff;
	v6 =	vor.u32 $0x6, v1  }
0xd9: {  	v12 =	vld.idx.msk [tilespmem:v8+s11+$0x0], $0xffff  }
0xda: {  	v2 =	vadd.f32 $0.0e+00, v2;
	v3 =	vmul.f32 v3, v7;
	v7 =	vld.idx.msk [tilespmem:v8+s12+$0x0], $0xffff;
	v8 =	vor.u32 $0x7, v1  }
0xdb: {  	v13 =	vld.idx.msk [tilespmem:v10+s11+$0x0], $0xffff  }
0xdc: {  	v2 =	vadd.f32 v3, v2;
	v3 =	vmul.f32 v4, v9;
	v9 =	vor.u32 $0x8, v1;
	v4 =	vld.idx.msk [tilespmem:v10+s12+$0x0], $0xffff  }
0xdd: {  	v10 =	vld.idx.msk [tilespmem:v6+s11+$0x0], $0xffff  }
0xde: {  	v2 =	vadd.f32 v3, v2;
	v3 =	vmul.f32 v5, v11;
	v5 =	vld.idx.msk [tilespmem:v6+s12+$0x0], $0xffff;
	v6 =	vor.u32 $0x9, v1  }
0xdf: {  	v11 =	vld.idx.msk [tilespmem:v8+s11+$0x0], $0xffff  }
0xe0: {  	v2 =	vadd.f32 v3, v2;
	v3 =	vmul.f32 v7, v12;
	v7 =	vld.idx.msk [tilespmem:v8+s12+$0x0], $0xffff;
	v8 =	vor.u32 $0xA, v1  }
0xe1: {  	v12 =	vld.idx.msk [tilespmem:v9+s11+$0x0], $0xffff  }
0xe2: {  	v2 =	vadd.f32 v3, v2;
	v3 =	vmul.f32 v4, v13;
	v4 =	vld.idx.msk [tilespmem:v9+s12+$0x0], $0xffff;
	v9 =	vor.u32 $0xB, v1  }
0xe3: {  	v13 =	vld.idx.msk [tilespmem:v6+s11+$0x0], $0xffff  }
0xe4: {  	v2 =	vadd.f32 v3, v2;
	v3 =	vmul.f32 v5, v10;
	v5 =	vld.idx.msk [tilespmem:v6+s12+$0x0], $0xffff;
	v6 =	vor.u32 $0xC, v1  }
0xe5: {  	v10 =	vld.idx.msk [tilespmem:v8+s11+$0x0], $0xffff  }
0xe6: {  	v2 =	vadd.f32 v3, v2;
	v3 =	vmul.f32 v7, v11;
	v7 =	vld.idx.msk [tilespmem:v8+s12+$0x0], $0xffff;
	v8 =	vor.u32 $0xD, v1  }
0xe7: {  	v11 =	vld.idx.msk [tilespmem:v9+s11+$0x0], $0xffff  }
0xe8: {  	v2 =	vadd.f32 v3, v2;
	v3 =	vmul.f32 v4, v12;
	v4 =	vld.idx.msk [tilespmem:v9+s12+$0x0], $0xffff;
	v9 =	vor.u32 $0xE, v1  }
0xe9: {  	v12 =	vld.idx.msk [tilespmem:v6+s11+$0x0], $0xffff  }
0xea: {  	v2 =	vadd.f32 v3, v2;
	v3 =	vmul.f32 v5, v13;
	v5 =	vld.idx.msk [tilespmem:v6+s12+$0x0], $0xffff;
	v6 =	vor.u32 $0xF, v1  }
0xeb: {  	v13 =	vld.idx.msk [tilespmem:v8+s11+$0x0], $0xffff  }
0xec: {  	v2 =	vadd.f32 v3, v2;
	v3 =	vmul.f32 v7, v10;
	v7 =	vld.idx.msk [tilespmem:v8+s12+$0x0], $0xffff;
	v8 =	vor.u32 $0x10, v1  }
0xed: {  	v10 =	vld.idx.msk [tilespmem:v9+s11+$0x0], $0xffff  }
0xee: {  	v2 =	vadd.f32 v3, v2;
	v3 =	vmul.f32 v4, v11;
	v4 =	vld.idx.msk [tilespmem:v9+s12+$0x0], $0xffff;
	v9 =	vor.u32 $0x11, v1  }
0xef: {  	v11 =	vld.idx.msk [tilespmem:v6+s11+$0x0], $0xffff  }
0xf0: {  	v2 =	vadd.f32 v3, v2;
	v3 =	vmul.f32 v5, v12;
	v5 =	vld.idx.msk [tilespmem:v6+s12+$0x0], $0xffff;
	v6 =	vor.u32 $0x12, v1  }
0xf1: {  	v12 =	vld.idx.msk [tilespmem:v8+s11+$0x0], $0xffff  }
0xf2: {  	v2 =	vadd.f32 v3, v2;
	v3 =	vmul.f32 v7, v13;
	v7 =	vld.idx.msk [tilespmem:v8+s12+$0x0], $0xffff;
	v8 =	vor.u32 $0x13, v1  }
0xf3: {  	v13 =	vld.idx.msk [tilespmem:v9+s11+$0x0], $0xffff  }
0xf4: {  	v2 =	vadd.f32 v3, v2;
	v3 =	vmul.f32 v4, v10;
	v4 =	vld.idx.msk [tilespmem:v9+s12+$0x0], $0xffff;
	v9 =	vor.u32 $0x14, v1  }
0xf5: {  	v10 =	vld.idx.msk [tilespmem:v6+s11+$0x0], $0xffff  }
0xf6: {  	v2 =	vadd.f32 v3, v2;
	v3 =	vmul.f32 v5, v11;
	v5 =	vld.idx.msk [tilespmem:v6+s12+$0x0], $0xffff;
	v6 =	vor.u32 $0x15, v1  }
0xf7: {  	v11 =	vld.idx.msk [tilespmem:v8+s11+$0x0], $0xffff  }
0xf8: {  	v2 =	vadd.f32 v3, v2;
	v3 =	vmul.f32 v7, v12;
	v7 =	vld.idx.msk [tilespmem:v8+s12+$0x0], $0xffff;
	v8 =	vor.u32 $0x16, v1  }
0xf9: {  	v12 =	vld.idx.msk [tilespmem:v9+s11+$0x0], $0xffff  }
0xfa: {  	v2 =	vadd.f32 v3, v2;
	v3 =	vmul.f32 v4, v13;
	v4 =	vld.idx.msk [tilespmem:v9+s12+$0x0], $0xffff;
	v9 =	vor.u32 $0x17, v1  }
0xfb: {  	v13 =	vld.idx.msk [tilespmem:v6+s11+$0x0], $0xffff  }
0xfc: {  	v2 =	vadd.f32 v3, v2;
	v3 =	vmul.f32 v5, v10;
	v5 =	vld.idx.msk [tilespmem:v6+s12+$0x0], $0xffff;
	v6 =	vor.u32 $0x18, v1  }
0xfd: {  	v10 =	vld.idx.msk [tilespmem:v8+s11+$0x0], $0xffff  }
0xfe: {  	v2 =	vadd.f32 v3, v2;
	v3 =	vmul.f32 v7, v11;
	v7 =	vld.idx.msk [tilespmem:v8+s12+$0x0], $0xffff;
	v8 =	vor.u32 $0x19, v1  }
0xff: {  	v11 =	vld.idx.msk [tilespmem:v9+s11+$0x0], $0xffff  }
0x100: {  	v2 =	vadd.f32 v3, v2;
	v3 =	vmul.f32 v4, v12;
	v4 =	vld.idx.msk [tilespmem:v9+s12+$0x0], $0xffff;
	v9 =	vor.u32 $0x1A, v1  }
0x101: {  	v12 =	vld.idx.msk [tilespmem:v6+s11+$0x0], $0xffff  }
0x102: {  	v2 =	vadd.f32 v3, v2;
	v3 =	vmul.f32 v5, v13;
	v5 =	vld.idx.msk [tilespmem:v6+s12+$0x0], $0xffff;
	v6 =	vor.u32 $0x1B, v1  }
0x103: {  	v13 =	vld.idx.msk [tilespmem:v8+s11+$0x0], $0xffff  }
0x104: {  	v2 =	vadd.f32 v3, v2;
	v3 =	vmul.f32 v7, v10;
	v7 =	vld.idx.msk [tilespmem:v8+s12+$0x0], $0xffff;
	v8 =	vor.u32 $0x1C, v1  }
0x105: {  	v10 =	vld.idx.msk [tilespmem:v9+s11+$0x0], $0xffff  }
0x106: {  	v2 =	vadd.f32 v3, v2;
	v3 =	vmul.f32 v4, v11;
	v4 =	vld.idx.msk [tilespmem:v9+s12+$0x0], $0xffff;
	v9 =	vor.u32 $0x1D, v1  }
0x107: {  	v11 =	vld.idx.msk [tilespmem:v6+s11+$0x0], $0xffff  }
0x108: {  	v2 =	vadd.f32 v3, v2;
	v3 =	vmul.f32 v5, v12;
	v5 =	vld.idx.msk [tilespmem:v6+s12+$0x0], $0xffff;
	v6 =	vor.u32 $0x1E, v1  }
0x109: {  	v12 =	vld.idx.msk [tilespmem:v8+s11+$0x0], $0xffff  }
0x10a: {  	v1 =	vor.u32 $0x1F, v1;
	v2 =	vadd.f32 v3, v2;
	v3 =	vmul.f32 v7, v13;
	v7 =	vld.idx.msk [tilespmem:v8+s12+$0x0], $0xffff  }
0x10b: {  	v8 =	vld.idx.msk [tilespmem:v9+s11+$0x0], $0xffff  }
0x10c: {  	v2 =	vadd.f32 v3, v2;
	v3 =	vmul.f32 v4, v10;
	v4 =	vld.idx.msk [tilespmem:v9+s12+$0x0], $0xffff  }
0x10d: {  	v9 =	vld.idx.msk [tilespmem:v6+s11+$0x0], $0xffff  }
0x10e: {  	v3 =	vadd.f32 v3, v2;
	v5 =	vmul.f32 v5, v11;
	v6 =	vld.idx.msk [tilespmem:v6+s12+$0x0], $0xffff  }
0x10f: {  	v2 =	vld.idx.msk [tilespmem:v1+s11+$0x0], $0xffff  }
0x110: {  	v5 =	vadd.f32 v5, v3;
	v7 =	vmul.f32 v7, v12;
	v3 =	vld.idx.msk [tilespmem:v1+s12+$0x0], $0xffff  }
.Ltmp0:
0x111: {  	(pc) =	sbr.rel @p0 .LBB2_2-.Ltmp0, $3  }
0x112: {  	v1 =	vadd.f32 v7, v5;
	v4 =	vmul.f32 v4, v8;
	_ =	sdelay $0x1  }
0x113: {  	v7 =	vmov s29;
	v4 =	vadd.f32 v4, v1;
	v5 =	vmul.f32 v6, v9  }
0x114: {  	s29 =	sadd.s32 $0x10, s29;
	v1 =	vshll.u32 v7, $0x5  }
0x115: {  	v1 =	vor.u32 v0, v1;
	v4 =	vadd.f32 v5, v4;
	v2 =	vmul.f32 v3, v2;
	_ =	sdelay $0x1  }
0x116: {  	v3 =	vor.u32 $0x1, v1;
	v2 =	vadd.f32 v2, v4  }
0x117: {  	s28 =	sadd.s32 $0x10, s28  }
0x118: {  	v31 =	vor.u32 $0x2, v1;
	[tilespmem:s28+$0x0] =	vst v2  }
0x119: {  	v2 =	vld.idx.msk [tilespmem:v1+s12+$0x0], $0xffff  }
0x11a: {  	v6 =	vor.u32 $0x3, v1;
	v32 =	vld.idx.msk [tilespmem:v1+s11+$0x0], $0xffff  }
0x11b: {  	v7 =	vld.idx.msk [tilespmem:v3+s11+$0x0], $0xffff  }
0x11c: {  	v8 =	vor.u32 $0x4, v1;
	v3 =	vld.idx.msk [tilespmem:v3+s12+$0x0], $0xffff  }
0x11d: {  	v9 =	vld.idx.msk [tilespmem:v31+s11+$0x0], $0xffff  }
0x11e: {  	v10 =	vor.u32 $0x5, v1;
	v4 =	vld.idx.msk [tilespmem:v31+s12+$0x0], $0xffff  }
0x11f: {  	v11 =	vld.idx.msk [tilespmem:v6+s11+$0x0], $0xffff;
	v2 =	vmul.f32 v2, v32  }
0x120: {  	v34 =	vor.u32 $0x6, v1;
	v33 =	vld.idx.msk [tilespmem:v6+s12+$0x0], $0xffff  }
0x121: {  	v12 =	vld.idx.msk [tilespmem:v8+s11+$0x0], $0xffff;
	v3 =	vmul.f32 v3, v7;
	v2 =	vadd.f32 $0.0e+00, v2  }
0x122: {  	v36 =	vor.u32 $0x7, v1;
	v35 =	vld.idx.msk [tilespmem:v8+s12+$0x0], $0xffff  }
0x123: {  	v13 =	vld.idx.msk [tilespmem:v10+s11+$0x0], $0xffff;
	v2 =	vadd.f32 v3, v2;
	v3 =	vmul.f32 v4, v9  }
0x124: {  	v38 =	vor.u32 $0x8, v1;
	v37 =	vld.idx.msk [tilespmem:v10+s12+$0x0], $0xffff  }
0x125: {  	v39 =	vld.idx.msk [tilespmem:v34+s11+$0x0], $0xffff;
	v2 =	vadd.f32 v3, v2;
	v3 =	vmul.f32 v33, v11  }
0x126: {  	v41 =	vor.u32 $0x9, v1;
	v40 =	vld.idx.msk [tilespmem:v34+s12+$0x0], $0xffff  }
0x127: {  	v42 =	vld.idx.msk [tilespmem:v36+s11+$0x0], $0xffff;
	v2 =	vadd.f32 v3, v2;
	v3 =	vmul.f32 v35, v12  }
0x128: {  	v44 =	vor.u32 $0xA, v1;
	v43 =	vld.idx.msk [tilespmem:v36+s12+$0x0], $0xffff  }
0x129: {  	v45 =	vld.idx.msk [tilespmem:v38+s11+$0x0], $0xffff;
	v2 =	vadd.f32 v3, v2;
	v3 =	vmul.f32 v37, v13  }
0x12a: {  	v47 =	vor.u32 $0xB, v1;
	v46 =	vld.idx.msk [tilespmem:v38+s12+$0x0], $0xffff  }
0x12b: {  	v48 =	vld.idx.msk [tilespmem:v41+s11+$0x0], $0xffff;
	v2 =	vadd.f32 v3, v2;
	v3 =	vmul.f32 v40, v39  }
0x12c: {  	v50 =	vor.u32 $0xC, v1;
	v49 =	vld.idx.msk [tilespmem:v41+s12+$0x0], $0xffff  }
0x12d: {  	v51 =	vld.idx.msk [tilespmem:v44+s11+$0x0], $0xffff;
	v2 =	vadd.f32 v3, v2;
	v3 =	vmul.f32 v43, v42  }
0x12e: {  	v53 =	vor.u32 $0xD, v1;
	v52 =	vld.idx.msk [tilespmem:v44+s12+$0x0], $0xffff  }
0x12f: {  	v54 =	vld.idx.msk [tilespmem:v47+s11+$0x0], $0xffff;
	v2 =	vadd.f32 v3, v2;
	v3 =	vmul.f32 v46, v45  }
0x130: {  	v56 =	vor.u32 $0xE, v1;
	v55 =	vld.idx.msk [tilespmem:v47+s12+$0x0], $0xffff  }
0x131: {  	v57 =	vld.idx.msk [tilespmem:v50+s11+$0x0], $0xffff;
	v2 =	vadd.f32 v3, v2;
	v3 =	vmul.f32 v49, v48  }
0x132: {  	v59 =	vor.u32 $0xF, v1;
	v58 =	vld.idx.msk [tilespmem:v50+s12+$0x0], $0xffff  }
0x133: {  	v60 =	vld.idx.msk [tilespmem:v53+s11+$0x0], $0xffff;
	v2 =	vadd.f32 v3, v2;
	v3 =	vmul.f32 v52, v51  }
0x134: {  	v62 =	vor.u32 $0x10, v1;
	v61 =	vld.idx.msk [tilespmem:v53+s12+$0x0], $0xffff  }
0x135: {  	v63 =	vld.idx.msk [tilespmem:v56+s11+$0x0], $0xffff;
	v2 =	vadd.f32 v3, v2;
	v3 =	vmul.f32 v55, v54  }
0x136: {  	v17 =	vor.u32 $0x11, v1;
	v16 =	vld.idx.msk [tilespmem:v56+s12+$0x0], $0xffff  }
0x137: {  	v18 =	vld.idx.msk [tilespmem:v59+s11+$0x0], $0xffff;
	v2 =	vadd.f32 v3, v2;
	v3 =	vmul.f32 v58, v57  }
0x138: {  	v20 =	vor.u32 $0x12, v1;
	v19 =	vld.idx.msk [tilespmem:v59+s12+$0x0], $0xffff  }
0x139: {  	v21 =	vld.idx.msk [tilespmem:v62+s11+$0x0], $0xffff;
	v2 =	vadd.f32 v3, v2;
	v3 =	vmul.f32 v61, v60  }
0x13a: {  	v23 =	vor.u32 $0x13, v1;
	v22 =	vld.idx.msk [tilespmem:v62+s12+$0x0], $0xffff  }
0x13b: {  	v24 =	vld.idx.msk [tilespmem:v17+s11+$0x0], $0xffff;
	v2 =	vadd.f32 v3, v2;
	v3 =	vmul.f32 v16, v63  }
0x13c: {  	v26 =	vor.u32 $0x14, v1;
	v25 =	vld.idx.msk [tilespmem:v17+s12+$0x0], $0xffff  }
0x13d: {  	v27 =	vld.idx.msk [tilespmem:v20+s11+$0x0], $0xffff;
	v2 =	vadd.f32 v3, v2;
	v3 =	vmul.f32 v19, v18  }
0x13e: {  	v29 =	vor.u32 $0x15, v1;
	v28 =	vld.idx.msk [tilespmem:v20+s12+$0x0], $0xffff  }
0x13f: {  	v30 =	vld.idx.msk [tilespmem:v23+s11+$0x0], $0xffff;
	v2 =	vadd.f32 v3, v2;
	v3 =	vmul.f32 v22, v21  }
0x140: {  	v31 =	vld.idx.msk [tilespmem:v23+s12+$0x0], $0xffff;
	v32 =	vor.u32 $0x16, v1  }
0x141: {  	v34 =	vld.idx.msk [tilespmem:v26+s12+$0x0], $0xffff;
	v2 =	vadd.f32 v3, v2;
	v3 =	vmul.f32 v25, v24  }
0x142: {  	v33 =	vld.idx.msk [tilespmem:v26+s11+$0x0], $0xffff;
	v35 =	vor.u32 $0x17, v1  }
0x143: {  	v36 =	vld.idx.msk [tilespmem:v29+s11+$0x0], $0xffff;
	v2 =	vadd.f32 v3, v2;
	v3 =	vmul.f32 v28, v27  }
0x144: {  	v38 =	vor.u32 $0x18, v1;
	v37 =	vld.idx.msk [tilespmem:v29+s12+$0x0], $0xffff  }
0x145: {  	v39 =	vld.idx.msk [tilespmem:v32+s11+$0x0], $0xffff;
	v2 =	vadd.f32 v3, v2;
	v3 =	vmul.f32 v31, v30  }
0x146: {  	v41 =	vor.u32 $0x19, v1;
	v40 =	vld.idx.msk [tilespmem:v32+s12+$0x0], $0xffff  }
0x147: {  	v42 =	vld.idx.msk [tilespmem:v35+s11+$0x0], $0xffff;
	v2 =	vadd.f32 v3, v2;
	v3 =	vmul.f32 v34, v33  }
0x148: {  	v44 =	vor.u32 $0x1A, v1;
	v43 =	vld.idx.msk [tilespmem:v35+s12+$0x0], $0xffff  }
0x149: {  	v45 =	vld.idx.msk [tilespmem:v38+s11+$0x0], $0xffff;
	v2 =	vadd.f32 v3, v2;
	v3 =	vmul.f32 v37, v36  }
0x14a: {  	v47 =	vor.u32 $0x1B, v1;
	v46 =	vld.idx.msk [tilespmem:v38+s12+$0x0], $0xffff  }
0x14b: {  	v48 =	vld.idx.msk [tilespmem:v41+s11+$0x0], $0xffff;
	v2 =	vadd.f32 v3, v2;
	v3 =	vmul.f32 v40, v39  }
0x14c: {  	v50 =	vor.u32 $0x1C, v1;
	v49 =	vld.idx.msk [tilespmem:v41+s12+$0x0], $0xffff  }
0x14d: {  	v51 =	vld.idx.msk [tilespmem:v44+s11+$0x0], $0xffff;
	v2 =	vadd.f32 v3, v2;
	v3 =	vmul.f32 v43, v42  }
0x14e: {  	v53 =	vor.u32 $0x1D, v1;
	v52 =	vld.idx.msk [tilespmem:v44+s12+$0x0], $0xffff  }
0x14f: {  	v54 =	vld.idx.msk [tilespmem:v47+s11+$0x0], $0xffff;
	v2 =	vadd.f32 v3, v2;
	v3 =	vmul.f32 v46, v45  }
0x150: {  	v56 =	vor.u32 $0x1E, v1;
	v55 =	vld.idx.msk [tilespmem:v47+s12+$0x0], $0xffff  }
0x151: {  	v57 =	vld.idx.msk [tilespmem:v50+s11+$0x0], $0xffff;
	v2 =	vadd.f32 v3, v2;
	v3 =	vmul.f32 v49, v48  }
0x152: {  	v1 =	vor.u32 $0x1F, v1;
	v58 =	vld.idx.msk [tilespmem:v50+s12+$0x0], $0xffff  }
0x153: {  	v59 =	vld.idx.msk [tilespmem:v53+s11+$0x0], $0xffff;
	v2 =	vadd.f32 v3, v2;
	v3 =	vmul.f32 v52, v51  }
0x154: {  	v60 =	vld.idx.msk [tilespmem:v53+s12+$0x0], $0xffff  }
0x155: {  	v62 =	vld.idx.msk [tilespmem:v56+s12+$0x0], $0xffff;
	v2 =	vadd.f32 v3, v2;
	v3 =	vmul.f32 v55, v54  }
0x156: {  	v61 =	vld.idx.msk [tilespmem:v56+s11+$0x0], $0xffff  }
0x157: {  	v63 =	vld.idx.msk [tilespmem:v1+s11+$0x0], $0xffff;
	v2 =	vadd.f32 v3, v2;
	v3 =	vmul.f32 v58, v57  }
0x158: {  	v1 =	vld.idx.msk [tilespmem:v1+s12+$0x0], $0xffff  }
0x159: {  	v2 =	vadd.f32 v3, v2;
	v3 =	vmul.f32 v60, v59;
	_ =	sdelay $0x1  }
0x15a: {  	v2 =	vadd.f32 v3, v2;
	v3 =	vmul.f32 v62, v61;
	_ =	sdelay $0x1  }
0x15b: {  	v1 =	vmul.f32 v1, v63;
	v2 =	vadd.f32 v3, v2;
	_ =	sdelay $0x1  }
0x15c: {  	s26 =	sadd.s32 $0x1, s26;
	v1 =	vadd.f32 v1, v2  }
0x15d: {  	p0 =	sne.s32 s26, s7;
	s28 =	sadd.s32 $0x10, s28  }
.Ltmp1:
0x15e: {  	[tilespmem:s28+$0x0] =	vst v1;
	(pc) =	sbr.rel @p0 .LBB2_1-.Ltmp1, $4  }
0x15f: {  	[hbm4b:s6+s2] =	stream.linear.scatter [tilespmem:s25], [sflag:$0x2], $0x200, $0x38;
	[tilespmem:$0x8600] =	vst v63  }
0x160: {  	_ =	swait.ge [sflag:s8], $0x200  }
0x161: {  	[sflag:s8] =	ssyncset.done $0x0  }
0x162: {  	[sflag:s8] =	ssyncadd.s32 $0xFFFFFE00  }
0x163: {  	_ =	sfence.sel $0x180000  }
0x164: {  	[bflag:$0x0] =	sbarrier.arrive $0xFFFF  }
0x165: {  	p0 =	sne.s32 s1, $0x0;
	_ =	strace $0x9000004A  }
0x166: {  	s0 =	sadd.s32 @!p0 $0x100000, s0;
	[bflag:$0x2] =	sbarrier.arrive $0xFFFF  }
0x167: {  	[sflag:s0] =	ssyncadd.tile.s32 @!p0 $0x1;
	_ =	shalt  }
.Lfunc_end2:
_tile_overlayer_lowered:
.L_overlay_start_2:
0x168: {  	(tag) =	ssettag $0x2  }
0x169: {  	s0 =	rddreg [dreg:$0x0];
	s2 =	stileid.u32  }
0x16a: {  	s1 =	rddreg [dreg:$0x1];
	p0 =	sne.s32 s2, $0x0  }
0x16b: {  	s3 =	rddreg [dreg:$0x2];
	[bflag:$0x3] =	sbarrier.arrive $0xFFFF;
	s2 =	simm.s32 @!p0 $0x1C02  }
0x16c: {  	[timem:s3], [sflag:s2] =	dma.local @!p0 [hbm:s0], s1  }
0x16d: {  	s0 =	simm.s32 @!p0 $0x2  }
0x16e: {  	_ =	swait.ge @!p0 [sflag:s0], s1  }
0x16f: {  	s1 =	ssub.s32 @!p0 $0x0, s1;
	[sflag:s0] =	ssyncset.done @!p0 $0x0  }
0x170: {  	[sflag:s0] =	ssyncadd.s32 @!p0 s1  }
0x171: {  	[bflag:$0x3] =	sbarrier.arrive $0xFFFF  }
0x172: {  	_ =	shalt  }

// kernel: sparse-core-data-format-call.cloned.1.call-start
scs
called_computation_lowered:
.L_overlay_start_0:
0x0: {  	s1 =	sld [smem:$0x3FD9]  }
0x1: {  	s2 =	sld [smem:$0x3FFE];
	_ =	sdelay $0x1  }
0x2: {  	s3 =	srdreg.scid  }
0x3: {  	s0 =	sand.u32 $0x1, s3  }
0x4: {  	s17 =	sshll.u32 s0, $0xA;
	s1 =	sadd.s32 s2, s1  }
0x5: {  	s1 =	sadd.s32 s1, s17  }
0x6: {  	[smem:$0x3FC4] =	sst s1  }
0x7: {  	_ = 	snop  }
0x8: {  	(tm) =	ssettm $0x1  }
0x9: {  	s18 =	sld [smem:$0x3FFB];
	_ =	sdelay $0x3  }
0xa: {  	_ =	strace s18  }
0xb: {  	s1 =	sld [smem:$0x3FFC];
	_ =	sdelay $0x3  }
0xc: {  	_ =	strace s1  }
0xd: {  	s1 =	sld [smem:$0x3FFD];
	_ =	sdelay $0x3  }
0xe: {  	_ =	strace s1  }
0xf: {  	_ =	strace $0x8FFFFFFF  }
0x10: {  	s19 =	sld [smem:$0x3FDB];
	_ =	sdelay $0x1  }
0x11: {  	s20 =	simm.s32 $_scs_section_size  }
0x12: {  	s4 =	simm.s32 $_size__tile_overlayer_lowered;
	s5 =	simm.s32 $_tile_overlayer_lowered  }
0x13: {  	s23 =	simm.s32 $0x1BFF;
	s22 =	sshll.u32 s5, $0x1;
	s1 =	sadd.s32 s20, s19  }
0x14: {  	s6 =	simm.s32 $0x0;
	s21 =	sshll.u32 s4, $0x1;
	s4 =	sadd.s32 s22, s1  }
0x15: {  	[timem:s6], [sflag:s23] =	dma.local [hbm:s4], s21  }
0x16: {  	_ =	swait.ge [sflag:s23], s21  }
0x17: {  	s2 =	ssub.s32 $0x0, s21;
	[sflag:s23] =	ssyncset.done $0x0  }
0x18: {  	[sflag:s23] =	ssyncadd.s32 s2;
	_ =	sdelay $0x1  }
0x19: {  	s24 =	simm.s32 $0x1B8B  }
0x1a: {  	_ =	swait.ge [sflag:s24], $0x1  }
0x1b: {  	[sflag:s24] =	ssyncset.done $0x0  }
0x1c: {  	s26 =	simm.s32 $0x1B8E;
	s25 =	sld [smem:$0x3FFE];
	[sflag:s24] =	ssyncadd.s32 $0xFFFFFFFF  }
0x1d: {  	s27 =	simm.s32 $execute0_lowered;
	[smem:$0x3FD2] =	sst s26  }
0x1e: {  	s4 =	sshll.u32 s27, $0x1;
	_ =	strace $0x80000046;
	[dreg:$0x1] =	wrdreg $0xFFFFFFFF  }
0x1f: {  	s28 =	simm.s32 $_size_execute0_lowered;
	s1 =	sadd.s32 s1, s4;
	[dreg:$0x0] =	wrdreg $0x0  }
0x20: {  	s4 =	sshll.u32 s28, $0x1;
	[dreg:$0x2] =	wrdreg s1  }
0x21: {  	[dreg:$0x3] =	wrdreg s4  }
0x22: {  	[dreg:$0x4] =	wrdreg $0xC0  }
0x23: {  	_ =	task [dreg:s6], $0x5FFFF  }
0x24: {  	[dreg:$0x1] =	wrdreg $0xFFFFFFFF  }
0x25: {  	[dreg:$0x0] =	wrdreg $0x60  }
0x26: {  	[dreg:$0x2] =	wrdreg s25  }
0x27: {  	[dreg:$0x3] =	wrdreg $0x9  }
0x28: {  	_ =	task.clear_ibuf [dreg:s6], $0x4FFFF;
	_ =	strace $0x90000046  }
0x29: {  	s29 =	simm.s32 $0x9;
	_ =	strace $0x80000048  }
0x2a: {  	_ =	swait.ge [sflag:s29], $0x1  }
0x2b: {  	[sflag:s29] =	ssyncadd.s32 $0xFFFFFFFF  }
0x2c: {  	_ =	strace $0x90000048  }
0x2d: {  	_ =	sfence  }
0x2e: {  	s30 =	sld [smem:$0x0];
	_ =	sdelay $0x2  }
0x2f: {  	s31 =	sshll.u32 s3, $0xD;
	s3 =	sshrl.u32 s3, $0x2  }
0x30: {  	s2 =	sand.u32 $0x4000, s31;
	s1 =	sadd.s32 s3, s30  }
0x31: {  	s0 =	sor.u32 s2, s0;
	s1 =	sshll.u32 s1, $0x11  }
0x32: {  	s0 =	sor.u32 s1, s0  }
0x33: {  	s0 =	sadd.s32 $0x8F2B, s0  }
0x34: {  	[sflag:s0] =	ssyncadd.remote.s32 $0x1  }
0x35: {  	_ =	sfence.sel $0xFFFF  }
0x36: {  	[dreg:$0x0] =	wrdreg $0xFFFFFFFF;
	(pc) =	sbr.abs _section_cstart, $3  }
0x37: {  	[dreg:$0x1] =	wrdreg $0xFFFFFFFF  }
0x38: {  	_ =	task.clear_ibuf [dreg:s6], $0x2FFFF;
	_ =	strace $0x9FFFFFFF  }
0x39: {  	(tm) =	ssettm $0x7FFFFFFF  }
tec
execute0_lowered:
.L_overlay_start_1:
0x0: {  	(tag) =	ssettag $0x1  }
0x1: {  	s0 =	srdreg.scid  }
0x2: {  	s6 =	rddreg [dreg:$0x0];
	s7 =	simm.s32 $0x1;
	s1 =	sshll.u32 s0, $0x4  }
0x3: {  	s8 =	simm.s32 $0x2;
	s0 =	stileid.u32;
	s1 =	sand.u32 $0x10, s1  }
0x4: {  	s13 =	simm.s32 $0x0;
	s12 =	simm.s32 $0x0;
	s1 =	sor.u32 s0, s1  }
0x5: {  	s10 =	simm.s32 $0x0;
	s3 =	sadd.s32 $0xA00, s6;
	s2 =	sshll.u32 s1, $0x7  }
0x6: {  	s11 =	simm.s32 $0x0;
	s6 =	sadd.s32 $0x7A1C00, s6;
	s5 =	ssub.s32 $0x1E8480, s2  }
.Ltmp0:
0x7: {  	s1 =	rddreg [dreg:$0x1];
	s4 =	sand.u32 $0xF80, s5;
	(pc) =	sbr.rel .LBB1_1-.Ltmp0, $4  }
0x8: {  	_ =	strace $0x80000047;
	s9 =	smov.u32 s2;
	p0 =	sne.s32 s4, $0x0  }
0x9: {  	s5 =	sshrl.u32 s5, $0xC;
	s4 =	simm.s32 $0x1;
	s7 =	simm.s32 @!p0 $0x0  }
0xa: {  	[sflag:s4] =	ssyncpa.u1 $0x0;
	p0 =	por $0x0, $0x0;
	s5 =	sadd.s32 s7, s5  }
0xb: {  	[sflag:s8] =	ssyncpa.u1 $0x0;
	s8 =	simm.s32 $0x80;
	s7 =	sadd.s32 $0x1, s5  }
.LBB1_4:
0xc: {  	s13 =	sshll.u32 s13, $0x7;
	s19 =	sshll.u32 s12, $0x3  }
0xd: {  	v5 =	vld [tilespmem:s17+$0xFFFFFFD0];
	[tilespmem:s16+$0x840 ss:$0x21] =	vst.msk $0xffff, v4;
	s20 =	sand.u32 $0xFFFFFC00, s13;
	s19 =	sand.u32 $0xFFFFFC00, s19  }
0xe: {  	v58 =	vld [tilespmem:s17+$0xFFFFFFE0];
	[tilespmem:s16+$0xA50 ss:$0x21] =	vst.msk $0xffff, v3;
	s13 =	sand.u32 $0x380, s13;
	s19 =	sadd.s32 s19, s20  }
0xf: {  	s18 =	sshra.s32 s18, $0x2;
	v59 =	vld [tilespmem:s17+$0xFFFFFFF0];
	[tilespmem:s16+$0xC60 ss:$0x21] =	vst.msk $0xffff, v2;
	s13 =	sor.u32 s13, s19  }
0x10: {  	v60 =	vld [tilespmem:s17+$0x0];
	[tilespmem:s16+$0x0 ss:$0x21] =	vst.msk $0xffff, v0;
	s15 =	sadd.s32 s18, s15;
	s13 =	sshrl.u32 s13, $0x7  }
0x11: {  	v61 =	vld [tilespmem:s17+$0x10];
	[tilespmem:s15+$0xE70 ss:$0x21] =	vst.msk $0xffff, v1;
	s28 =	smulhi.u32 $0x218DEF5, s13  }
0x12: {  	v62 =	vld [tilespmem:s17+$0x20];
	[tilespmem:s15+$0x210 ss:$0x21] =	vst.msk $0xffff, v5  }
0x13: {  	v63 =	vld [tilespmem:s17+$0xFFFFFFC0];
	[tilespmem:s15+$0x420 ss:$0x21] =	vst.msk $0xffff, v58;
	s16 =	sshrl.u32 s28, $0xE  }
0x14: {  	[tilespmem:s15+$0x630 ss:$0x21] =	vst.msk $0xffff, v59;
	s16 =	smul.u32 $0x1E8480, s16  }
0x15: {  	s29 =	sshrl.u32 s12, $0x3;
	[tilespmem:s15+$0x840 ss:$0x21] =	vst.msk $0xffff, v60  }
0x16: {  	s31 =	sand.u32 $0x7, s12;
	s30 =	sand.u32 $0xF, s29;
	[tilespmem:s15+$0xA50 ss:$0x21] =	vst.msk $0xffff, v61;
	s13 =	ssub.s32 s13, s16  }
0x17: {  	s12 =	sshll.u32 s31, $0x12;
	[tilespmem:s15+$0xC60 ss:$0x21] =	vst.msk $0xffff, v62;
	s16 =	sadd.s32 s6, s30;
	s13 =	sshll.u32 s13, $0x4  }
0x18: {  	s12 =	sor.u32 $0x20, s12;
	[tilespmem:s15+$0x0 ss:$0x21] =	vst.msk $0xffff, v63;
	s13 =	sadd.s32 s13, s16  }
0x19: {  	[hbm4b:s13+s12] =	stream.strided.scatter [tilespmem:s14], [sflag:$0x2], $0x1000, s8, s12, $0x10;
	[tilespmem:$0x4100] =	vst v63  }
.LBB1_5:
0x1a: {  	s14 =	sadd.s32 $0x1000, s9  }
0x1b: {  	s12 =	sadd.s32 $0x20, s10;
	s16 =	smov.u32 s10;
	p2 =	sgt.s32 s14, $0x1E847F  }
0x1c: {  	s16 =	smov.u32 @p2 s12  }
0x1d: {  	s14 =	smov.u32 @p2 s2;
	p2 =	sgt.s32 s16, $0x1F  }
0x1e: {  	s16 =	simm.s32 @p2 $0x0;
	p2 =	sne.s32 s11, s7  }
.Ltmp1:
0x1f: {  	p1 =	slt.u32 s11, $0x2;
	(pc) =	sbr.rel @!p2 .LBB1_6-.Ltmp1, $4  }
0x20: {  	s15 =	simm.s32 @!p1 $0x2  }
0x21: {  	s13 =	smov.u32 s9;
	p0 =	por !p0, !p0;
	_ =	swait.ge @!p1 [sflag:s15], $0x1000  }
0x22: {  	s12 =	smov.u32 s10;
	[sflag:s15] =	ssyncset.done @!p1 $0x0;
	s9 =	smov.u32 s14  }
0x23: {  	s11 =	sadd.s32 $0x1, s11;
	[sflag:s15] =	ssyncadd.s32 @!p1 $0xFFFFF000;
	s10 =	smov.u32 s16  }
.LBB1_1:
0x24: {  	p1 =	sge.u32 s11, s5  }
0x25: {  	s14 =	sshrl.u32 @!p1 s10, $0x3  }
0x26: {  	s15 =	sshll.u32 @!p1 s9, $0x3;
	s14 =	smul.u32 @!p1 $0xF42400, s14  }
0x27: {  	s16 =	sshll.u32 @!p1 s10, $0x7;
	s15 =	sand.u32 @!p1 $0xFFFFFC00, s15  }
0x28: {  	s14 =	sadd.s32 @!p1 s14, s15;
	s15 =	sand.u32 @!p1 $0x380, s16  }
0x29: {  	s16 =	sand.u32 @!p1 $0x7F, s9;
	s14 =	sor.u32 @!p1 s15, s14  }
0x2a: {  	s15 =	sor.u32 @!p1 s16, s14  }
0x2b: {  	s16 =	smulhi.u32 @!p1 $0x431BDE83, s15;
	_ =	sdelay $0x1  }
0x2c: {  	s14 =	smulhi.u32 @!p1 $0x431BDE83, s14;
	s16 =	sshrl.u32 @!p1 s16, $0x13  }
0x2d: {  	s16 =	smul.u32 @!p1 $0x1E8480, s16  }
0x2e: {  	s31 =	sadd.s32 $0xFFFFFFFF, s11;
	s17 =	sxor.u32 @!p1 $0xFFFFFFFF, s11;
	s14 =	sshrl.u32 @!p1 s14, $0x13  }
0x2f: {  	s17 =	sshll.u32 @!p1 s17, $0xC;
	s14 =	sand.u32 @!p1 $0x1F, s14;
	s15 =	ssub.s32 @!p1 s15, s16  }
0x30: {  	s14 =	smul.u32 @!p1 $0x3D090, s14;
	s16 =	sshrl.u32 @!p1 s15, $0x3;
	s15 =	sand.u32 @!p1 $0x7, s15  }
0x31: {  	s17 =	sand.u32 @!p1 $0x1000, s17;
	s16 =	sadd.s32 @!p1 s3, s16;
	s15 =	sshll.u32 @!p1 s15, $0x12  }
0x32: {  	s14 =	sadd.s32 @!p1 s14, s16;
	s15 =	sor.u32 @!p1 $0x400, s15;
	s16 =	simm.s32 @!p1 $0xF42400  }
0x33: {  	[tilespmem:s17], [sflag:$0x1] =	stream.strided.gather @!p1 [hbm4b:s14+s15], $0x1000, s16, s15, $0x38;
	[tilespmem:$0x4100] =	vst v63  }
0x34: {  	p1 =	sge.u32 s31, s5  }
.Ltmp2:
0x35: {  	_ = 	snop;
	(pc) =	sbr.rel @p1 .LBB1_5-.Ltmp2, $1  }
0x36: {  	_ =	sdelay $0x3  }
0x37: {  	s14 =	simm.s32 $0x1  }
0x38: {  	_ =	swait.ge [sflag:s4], $0x1000;
	s14 =	simm.s32 @!p0 $0x0  }
0x39: {  	[sflag:s4] =	ssyncset.done $0x0;
	s15 =	sshll.u32 s14, $0xC  }
0x3a: {  	[sflag:s4] =	ssyncadd.s32 $0xFFFFF000;
	s17 =	sor.u32 $0x40, s15  }
0x3b: {  	s14 =	smul.u32 $0x4200, s14;
	v0 =	vld [tilespmem:s17+$0x30]  }
0x3c: {  	v1 =	vld [tilespmem:s17+$0xFFFFFFD0]  }
0x3d: {  	s14 =	sshrl.u32 s14, $0x2;
	v5 =	vld [tilespmem:s17+$0xFFFFFFE0]  }
0x3e: {  	v6 =	vld [tilespmem:s17+$0xFFFFFFF0];
	s15 =	sor.u32 $0x2000, s14  }
0x3f: {  	s31 =	sand.u32 $0x1, s11;
	v4 =	vld [tilespmem:s17+$0x0];
	s16 =	sadd.s32 $0x0, s15  }
0x40: {  	v3 =	vld [tilespmem:s17+$0x10];
	s14 =	smul.u32 $0x4200, s31;
	[tilespmem:s16+$0xE70 ss:$0x21] =	vst.msk $0xffff, v0  }
0x41: {  	v2 =	vld [tilespmem:s17+$0x20];
	[tilespmem:s16+$0x210 ss:$0x21] =	vst.msk $0xffff, v1  }
0x42: {  	s14 =	sshrl.u32 s14, $0x2;
	v0 =	vld [tilespmem:s17+$0xFFFFFFC0];
	[tilespmem:s16+$0x420 ss:$0x21] =	vst.msk $0xffff, v5;
	s17 =	sadd.s32 $0x80, s17  }
0x43: {  	s18 =	simm.s32 $0x4;
	s19 =	simm.s32 $0x8;
	s14 =	sor.u32 $0x2000, s14;
	[tilespmem:s16+$0x630 ss:$0x21] =	vst.msk $0xffff, v6;
	v1 =	vld [tilespmem:s17+$0x30]  }
.LBB1_3:
0x44: {  	p1 =	sne.s32 s19, $0x7C;
	v5 =	vld [tilespmem:s17+$0xFFFFFFD0];
	[tilespmem:s16+$0x840 ss:$0x21] =	vst.msk $0xffff, v4  }
0x45: {  	v6 =	vld [tilespmem:s17+$0xFFFFFFE0];
	[tilespmem:s16+$0xA50 ss:$0x21] =	vst.msk $0xffff, v3  }
0x46: {  	s20 =	sshra.s32 s18, $0x2;
	s18 =	smov.u32 s19;
	v7 =	vld [tilespmem:s17+$0xFFFFFFF0];
	[tilespmem:s16+$0xC60 ss:$0x21] =	vst.msk $0xffff, v2  }
.Ltmp3:
0x47: {  	v4 =	vld [tilespmem:s17+$0x0];
	[tilespmem:s16+$0x0 ss:$0x21] =	vst.msk $0xffff, v0;
	s16 =	sadd.s32 s20, s15;
	(pc) =	sbr.rel @p1 .LBB1_3-.Ltmp3, $4  }
0x48: {  	v3 =	vld [tilespmem:s17+$0x10];
	[tilespmem:s16+$0xE70 ss:$0x21] =	vst.msk $0xffff, v1  }
0x49: {  	[tilespmem:s16+$0x210 ss:$0x21] =	vst.msk $0xffff, v5;
	v2 =	vld [tilespmem:s17+$0x20]  }
0x4a: {  	v0 =	vld [tilespmem:s17+$0xFFFFFFC0];
	[tilespmem:s16+$0x420 ss:$0x21] =	vst.msk $0xffff, v6;
	s17 =	sadd.s32 $0x80, s17  }
0x4b: {  	s19 =	sadd.s32 $0x4, s19;
	v1 =	vld [tilespmem:s17+$0x30];
	[tilespmem:s16+$0x630 ss:$0x21] =	vst.msk $0xffff, v7  }
.Ltmp4:
0x4c: {  	_ = 	snop;
	(pc) =	sbr.rel .LBB1_4-.Ltmp4, $1  }
0x4d: {  	_ =	sdelay $0x3  }
.LBB1_6:
0x4e: {  	_ =	sfence.sel $0x180000  }
0x4f: {  	s2 =	simm.s32 $0x1;
	[bflag:$0x0] =	sbarrier.arrive $0xFFFF  }
0x50: {  	s31 =	simm.s32 $0x2;
	[sflag:s2] =	ssyncpa.u1 $0x1  }
0x51: {  	[sflag:s31] =	ssyncpa.u1 $0x1  }
0x52: {  	p0 =	sne.s32 s0, $0x0;
	_ =	strace $0x90000047  }
0x53: {  	s0 =	sadd.s32 @!p0 $0x100000, s1;
	[bflag:$0x2] =	sbarrier.arrive $0xFFFF  }
0x54: {  	[sflag:s0] =	ssyncadd.tile.s32 @!p0 $0x1;
	_ =	shalt  }
.Lfunc_end1:
_tile_overlayer_lowered:
.L_overlay_start_2:
0x55: {  	(tag) =	ssettag $0x2  }
0x56: {  	s0 =	rddreg [dreg:$0x0];
	s2 =	stileid.u32  }
0x57: {  	s1 =	rddreg [dreg:$0x1];
	p0 =	sne.s32 s2, $0x0  }
0x58: {  	s3 =	rddreg [dreg:$0x2];
	[bflag:$0x3] =	sbarrier.arrive $0xFFFF;
	s2 =	simm.s32 @!p0 $0x1C01  }
0x59: {  	[timem:s3], [sflag:s2] =	dma.local @!p0 [hbm:s0], s1  }
0x5a: {  	s0 =	simm.s32 @!p0 $0x1  }
0x5b: {  	_ =	swait.ge @!p0 [sflag:s0], s1  }
0x5c: {  	s1 =	ssub.s32 @!p0 $0x0, s1;
	[sflag:s0] =	ssyncset.done @!p0 $0x0  }
0x5d: {  	[sflag:s0] =	ssyncadd.s32 @!p0 s1  }
0x5e: {  	[bflag:$0x3] =	sbarrier.arrive $0xFFFF  }
0x5f: {  	_ =	shalt  }

</sc_bundles>
